<compile_context>
chip_gen: v7x
topology: tpu7x:2x2x1
jax: 0.10.2.dev20260603
libtpu: 0.0.44.dev20260713+nightly
codegen_flags: <defaults>
</compile_context>

<pallas_src>
import jax
import jax.numpy as jnp
from jax import lax
from jax.experimental import pallas as pl
from jax.experimental.pallas import tpu as pltpu, tpu_sc as plsc

D = 64
NC, NS = 2, 16
NW = NC * NS
CH = 128
NBUF = 5
PRE = 3
SCALE = 8.0


def _body(idx_hbm, table_hbm, out_hbm, idx_v, *scratch):
    bufs = scratch[:NBUF]
    gsems = scratch[NBUF:2 * NBUF]
    osems = scratch[2 * NBUF:3 * NBUF]
    wid = lax.axis_index("s") * NC + lax.axis_index("c")
    nch = idx_hbm.shape[1]
    base = wid * nch * CH

    def gather(c, b, wait=False):
        d = pltpu.make_async_copy(table_hbm.at[idx_v.at[c]], bufs[b], gsems[b])
        d.wait() if wait else d.start()

    def store(c, b, wait=False):
        d = pltpu.make_async_copy(
            bufs[b], out_hbm.at[pl.ds(base + c * CH, CH)], osems[b])
        d.wait() if wait else d.start()

    pltpu.sync_copy(idx_hbm.at[wid], idx_v)
    for c in range(PRE):
        gather(c, c % NBUF)

    def step(o, carry):
        for b in range(NBUF):
            c = o * NBUF + b
            gather(c, b, wait=True)

            @plsc.parallel_loop(0, CH, step=1, unroll=4)
            def scale(r):
                for t in range(D // 16):
                    sl = pl.ds(t * 16, 16)
                    bufs[b][r, sl] = bufs[b][r, sl] * SCALE

            store(c, b)
            f = c + PRE
            fb = (b + PRE) % NBUF

            @pl.when(f < nch)
            def _():
                @pl.when(f >= NBUF)
                def _():
                    store(f - NBUF, fb, wait=True)
                gather(f, fb)
        return carry

    lax.fori_loop(0, nch // NBUF, step, 0)
    for k in range(NBUF):
        c = nch - NBUF + k
        store(c, c % NBUF, wait=True)


@jax.jit
def _embed(xf, table):
    b = xf.shape[0]
    nch = b // (NW * CH)
    idx3 = xf.reshape(NW, nch, CH)
    mesh = plsc.VectorSubcoreMesh(core_axis_name="c", subcore_axis_name="s")
    return pl.kernel(
        _body,
        out_type=jax.ShapeDtypeStruct((b, D), jnp.float32),
        mesh=mesh,
        scratch_types=(
            [pltpu.VMEM((nch, CH), jnp.int32)]
            + [pltpu.VMEM((CH, D), jnp.float32) for _ in range(NBUF)]
            + [pltpu.SemaphoreType.DMA for _ in range(2 * NBUF)]
        ),
        compiler_params=pltpu.CompilerParams(use_tc_tiling_on_sc=False),
    )(idx3, table)


def kernel(x, table):
    s, t = x.shape
    out = _embed(x.reshape(s * t), table)
    return out.reshape(s, t, D)

# --- scband reference (transcript-rebuilt; emitter-appended) ---
"""Pipeline reference for scband-input-embedding-3332894621786 (READ-ONLY COPY).

The authoritative reference and input builder live on the scoring server;
editing this copy changes nothing except your own understanding.
"""

import jax, jax.numpy as jnp
import numpy as np
import math

D_MODEL = 64
VOCAB_SIZE = 1000000

def setup_inputs(seed: int = 0) -> dict:
    key = jax.random.key(seed)
    k1, k2 = jax.random.split(key)
    x = jax.random.randint(k1, (16384, 50), 0, VOCAB_SIZE, dtype=jnp.int64 if jax.config.read('jax_enable_x64') else jnp.int32)
    table = jax.random.normal(k2, (VOCAB_SIZE, D_MODEL), dtype=jnp.float32)
    return {"x": x, "table": table}

def reference(x, table):
    # nn.Embedding lookup followed by scaling by sqrt(d_model)
    emb = jnp.take(table, x, axis=0)
    return emb * math.sqrt(D_MODEL)

if __name__ == "__main__":
    import jax
    _d = setup_inputs()
    print(jax.jit(kernel)(*tuple(_d.values())))

</pallas_src>

<mosaic_0001>
#map = affine_map<(d0, d1) -> (0, 0, 0)>
#map1 = affine_map<(d0, d1) -> (0, 0)>
module attributes {stable_mosaic.version = 14 : i64} {
  func.func @_body(%arg0: i32, %arg1: i32, %arg2: memref<32x200x128xi32, #tpu.memory_space<hbm>>, %arg3: memref<1000000x64xf32, #tpu.memory_space<hbm>>, %arg4: memref<819200x64xf32, #tpu.memory_space<hbm>>, %arg5: memref<200x128xi32, #tpu.memory_space<vmem>>, %arg6: memref<128x64xf32, #tpu.memory_space<vmem>>, %arg7: memref<128x64xf32, #tpu.memory_space<vmem>>, %arg8: memref<128x64xf32, #tpu.memory_space<vmem>>, %arg9: memref<128x64xf32, #tpu.memory_space<vmem>>, %arg10: memref<128x64xf32, #tpu.memory_space<vmem>>, %arg11: memref<!tpu.dma_semaphore, #tpu.memory_space<semaphore_mem>>, %arg12: memref<!tpu.dma_semaphore, #tpu.memory_space<semaphore_mem>>, %arg13: memref<!tpu.dma_semaphore, #tpu.memory_space<semaphore_mem>>, %arg14: memref<!tpu.dma_semaphore, #tpu.memory_space<semaphore_mem>>, %arg15: memref<!tpu.dma_semaphore, #tpu.memory_space<semaphore_mem>>, %arg16: memref<!tpu.dma_semaphore, #tpu.memory_space<semaphore_mem>>, %arg17: memref<!tpu.dma_semaphore, #tpu.memory_space<semaphore_mem>>, %arg18: memref<!tpu.dma_semaphore, #tpu.memory_space<semaphore_mem>>, %arg19: memref<!tpu.dma_semaphore, #tpu.memory_space<semaphore_mem>>, %arg20: memref<!tpu.dma_semaphore, #tpu.memory_space<semaphore_mem>>) attributes {dimension_semantics = [#tpu.dimension_semantics<core_parallel>, #tpu.dimension_semantics<subcore_parallel>], iteration_bounds = array<i64: 2, 16>, scalar_prefetch = 0 : i64, scratch_operands = 16 : i64, tpu.core_type = #tpu.core_type<sc_vector_subcore>, window_params = [{transform_indices = #map}, {transform_indices = #map1}, {transform_indices = #map1}]} {
    %mul3A = arith.constant 2 : i32
    %mul3A_0 = arith.muli %arg1, %mul3A : i32
    %add3A = arith.addi %mul3A_0, %arg0 : i32
    %mul3A_1 = arith.constant 200 : i32
    %mul3A_2 = arith.muli %add3A, %mul3A_1 : i32
    %mul3A_3 = arith.constant 128 : i32
    %mul3A_4 = arith.muli %mul3A_2, %mul3A_3 : i32
    "tpu.region"() ({
      %run_scoped3A = tpu.sem_alloc : memref<!tpu.dma_semaphore, #tpu.memory_space<semaphore_mem>>
      %dma_start3A_59 = arith.constant 0 : i32
      %dma_start3A_60 = arith.constant 0 : i32
      %dma_start3A_61 = tpu.memref_slice %arg2[%add3A, %dma_start3A_59, %dma_start3A_60] : memref<32x200x128xi32, #tpu.memory_space<hbm>> -> memref<1x200x128xi32, #tpu.memory_space<hbm>>
      %dma_start3A_62 = tpu.memref_squeeze %dma_start3A_61 : memref<1x200x128xi32, #tpu.memory_space<hbm>> -> memref<200x128xi32, #tpu.memory_space<hbm>>
      %dma_start3A_63 = arith.constant 0 : i32
      %dma_start3A_64 = arith.constant 0 : i32
      %dma_start3A_65 = tpu.memref_slice %arg2[%add3A, %dma_start3A_63, %dma_start3A_64] : memref<32x200x128xi32, #tpu.memory_space<hbm>> -> memref<1x200x128xi32, #tpu.memory_space<hbm>>
      %dma_start3A_66 = tpu.memref_squeeze %dma_start3A_65 : memref<1x200x128xi32, #tpu.memory_space<hbm>> -> memref<200x128xi32, #tpu.memory_space<hbm>>
      tpu.enqueue_dma source(%dma_start3A_66 : memref<200x128xi32, #tpu.memory_space<hbm>>) target(%arg5 : memref<200x128xi32, #tpu.memory_space<vmem>>) target_semaphore(%run_scoped3A : memref<!tpu.dma_semaphore, #tpu.memory_space<semaphore_mem>>)
      %dma_wait3A_67 = arith.constant 0 : i32
      %dma_wait3A_68 = arith.constant 0 : i32
      %dma_wait3A_69 = tpu.memref_slice %arg2[%add3A, %dma_wait3A_67, %dma_wait3A_68] : memref<32x200x128xi32, #tpu.memory_space<hbm>> -> memref<1x200x128xi32, #tpu.memory_space<hbm>>
      %dma_wait3A_70 = tpu.memref_squeeze %dma_wait3A_69 : memref<1x200x128xi32, #tpu.memory_space<hbm>> -> memref<200x128xi32, #tpu.memory_space<hbm>>
      %dma_wait3A_71 = arith.constant 0 : i32
      %dma_wait3A_72 = arith.constant 0 : i32
      %dma_wait3A_73 = tpu.memref_slice %arg2[%add3A, %dma_wait3A_71, %dma_wait3A_72] : memref<32x200x128xi32, #tpu.memory_space<hbm>> -> memref<1x200x128xi32, #tpu.memory_space<hbm>>
      %dma_wait3A_74 = tpu.memref_squeeze %dma_wait3A_73 : memref<1x200x128xi32, #tpu.memory_space<hbm>> -> memref<200x128xi32, #tpu.memory_space<hbm>>
      tpu.wait_dma2 semaphore(%run_scoped3A : memref<!tpu.dma_semaphore, #tpu.memory_space<semaphore_mem>>) src(%dma_wait3A_74 : memref<200x128xi32, #tpu.memory_space<hbm>>) dst(%arg5 : memref<200x128xi32, #tpu.memory_space<vmem>>)
      tpu.yield
    }) : () -> ()
    %dma_start3A = arith.constant 0 : i32
    %dma_start3A_5 = arith.constant 0 : i32
    %dma_start3A_6 = tpu.memref_slice %arg5[%dma_start3A, %dma_start3A_5] : memref<200x128xi32, #tpu.memory_space<vmem>> -> memref<1x128xi32, #tpu.memory_space<vmem>>
    %dma_start3A_7 = tpu.memref_squeeze %dma_start3A_6 : memref<1x128xi32, #tpu.memory_space<vmem>> -> memref<128xi32, #tpu.memory_space<vmem>>
    %dma_start3A_8 = arith.constant 0 : i32
    %dma_start3A_9 = arith.constant 0 : i32
    %dma_start3A_10 = tpu.memref_slice %arg3[%dma_start3A_8, %dma_start3A_9] : memref<1000000x64xf32, #tpu.memory_space<hbm>> -> memref<1000000x64xf32, #tpu.memory_space<hbm>>
    tpu.enqueue_indirect_dma source(%dma_start3A_10 : memref<1000000x64xf32, #tpu.memory_space<hbm>>) target(%arg6 : memref<128x64xf32, #tpu.memory_space<vmem>>) offsets(%dma_start3A_7 : memref<128xi32, #tpu.memory_space<vmem>>) semaphore(%arg11 : memref<!tpu.dma_semaphore, #tpu.memory_space<semaphore_mem>>)
    %dma_start3A_11 = arith.constant 1 : i32
    %dma_start3A_12 = arith.constant 0 : i32
    %dma_start3A_13 = tpu.memref_slice %arg5[%dma_start3A_11, %dma_start3A_12] : memref<200x128xi32, #tpu.memory_space<vmem>> -> memref<1x128xi32, #tpu.memory_space<vmem>>
    %dma_start3A_14 = tpu.memref_squeeze %dma_start3A_13 : memref<1x128xi32, #tpu.memory_space<vmem>> -> memref<128xi32, #tpu.memory_space<vmem>>
    %dma_start3A_15 = arith.constant 0 : i32
    %dma_start3A_16 = arith.constant 0 : i32
    %dma_start3A_17 = tpu.memref_slice %arg3[%dma_start3A_15, %dma_start3A_16] : memref<1000000x64xf32, #tpu.memory_space<hbm>> -> memref<1000000x64xf32, #tpu.memory_space<hbm>>
    tpu.enqueue_indirect_dma source(%dma_start3A_17 : memref<1000000x64xf32, #tpu.memory_space<hbm>>) target(%arg7 : memref<128x64xf32, #tpu.memory_space<vmem>>) offsets(%dma_start3A_14 : memref<128xi32, #tpu.memory_space<vmem>>) semaphore(%arg12 : memref<!tpu.dma_semaphore, #tpu.memory_space<semaphore_mem>>)
    %dma_start3A_18 = arith.constant 2 : i32
    %dma_start3A_19 = arith.constant 0 : i32
    %dma_start3A_20 = tpu.memref_slice %arg5[%dma_start3A_18, %dma_start3A_19] : memref<200x128xi32, #tpu.memory_space<vmem>> -> memref<1x128xi32, #tpu.memory_space<vmem>>
    %dma_start3A_21 = tpu.memref_squeeze %dma_start3A_20 : memref<1x128xi32, #tpu.memory_space<vmem>> -> memref<128xi32, #tpu.memory_space<vmem>>
    %dma_start3A_22 = arith.constant 0 : i32
    %dma_start3A_23 = arith.constant 0 : i32
    %dma_start3A_24 = tpu.memref_slice %arg3[%dma_start3A_22, %dma_start3A_23] : memref<1000000x64xf32, #tpu.memory_space<hbm>> -> memref<1000000x64xf32, #tpu.memory_space<hbm>>
    tpu.enqueue_indirect_dma source(%dma_start3A_24 : memref<1000000x64xf32, #tpu.memory_space<hbm>>) target(%arg8 : memref<128x64xf32, #tpu.memory_space<vmem>>) offsets(%dma_start3A_21 : memref<128xi32, #tpu.memory_space<vmem>>) semaphore(%arg13 : memref<!tpu.dma_semaphore, #tpu.memory_space<semaphore_mem>>)
    %scan3A = arith.constant 0 : i32
    %scan3A_25 = arith.constant 0 : i32
    %scan3A_26 = arith.constant 40 : i32
    %scan3A_27 = arith.addi %scan3A_25, %scan3A_26 : i32
    %scan3A_28 = arith.constant 1 : i32
    scf.for %scan3A_59 = %scan3A_25 to %scan3A_27 step %scan3A_28  : i32 {
      %mul3A_60 = arith.constant 5 : i32
      %mul3A_61 = arith.muli %scan3A_59, %mul3A_60 : i32
      %add3A_62 = arith.constant 0 : i32
      %add3A_63 = arith.addi %mul3A_61, %add3A_62 : i32
      %dma_wait3A_64 = arith.constant 0 : i32
      %dma_wait3A_65 = tpu.memref_slice %arg5[%add3A_63, %dma_wait3A_64] : memref<200x128xi32, #tpu.memory_space<vmem>> -> memref<1x128xi32, #tpu.memory_space<vmem>>
      %dma_wait3A_66 = tpu.memref_squeeze %dma_wait3A_65 : memref<1x128xi32, #tpu.memory_space<vmem>> -> memref<128xi32, #tpu.memory_space<vmem>>
      %dma_wait3A_67 = arith.constant 0 : i32
      %dma_wait3A_68 = arith.constant 0 : i32
      %dma_wait3A_69 = tpu.memref_slice %arg3[%dma_wait3A_67, %dma_wait3A_68] : memref<1000000x64xf32, #tpu.memory_space<hbm>> -> memref<1000000x64xf32, #tpu.memory_space<hbm>>
      tpu.wait_indirect_dma semaphore(%arg11 : memref<!tpu.dma_semaphore, #tpu.memory_space<semaphore_mem>>) src(%dma_wait3A_69 : memref<1000000x64xf32, #tpu.memory_space<hbm>>) dst(%arg6 : memref<128x64xf32, #tpu.memory_space<vmem>>)
      %parallel_loop3A = arith.constant 0 : i32
      %parallel_loop3A_70 = arith.constant 128 : i32
      %parallel_loop3A_71 = arith.constant 1 : i32
      scf.for %parallel_loop3A_191 = %parallel_loop3A to %parallel_loop3A_70 step %parallel_loop3A_71  : i32 {
        %parallel_loop3A_192 = arith.index_cast %parallel_loop3A_191 : i32 to index
        %parallel_loop3A_193 = arith.constant 0 : index
        %parallel_loop3A_194 = tpu.vector_load %arg6[%parallel_loop3A_192, %parallel_loop3A_193] {strides = array<i32>} : memref<128x64xf32, #tpu.memory_space<vmem>>, vector<1x16xf32>,
        %parallel_loop3A_195 = vector.shape_cast %parallel_loop3A_194 : vector<1x16xf32> to vector<16xf32>
        %parallel_loop3A_196 = arith.constant 8.000000e+00 : f32
        %parallel_loop3A_197 = vector.broadcast %parallel_loop3A_196 : f32 to vector<16xf32>
        %parallel_loop3A_198 = arith.mulf %parallel_loop3A_195, %parallel_loop3A_197 : vector<16xf32>
        %parallel_loop3A_199 = arith.index_cast %parallel_loop3A_191 : i32 to index
        %parallel_loop3A_200 = arith.constant 0 : index
        %parallel_loop3A_201 = tpu.vector_load %arg6[%parallel_loop3A_199, %parallel_loop3A_200] {strides = array<i32>} : memref<128x64xf32, #tpu.memory_space<vmem>>, vector<1x16xf32>,
        %parallel_loop3A_202 = vector.shape_cast %parallel_loop3A_201 : vector<1x16xf32> to vector<16xf32>
        %parallel_loop3A_203 = vector.shape_cast %parallel_loop3A_198 : vector<16xf32> to vector<1x16xf32>
        tpu.vector_store %arg6[%parallel_loop3A_199, %parallel_loop3A_200], %parallel_loop3A_203 {strides = array<i32>} : memref<128x64xf32, #tpu.memory_space<vmem>>, vector<1x16xf32>,
        %parallel_loop3A_204 = arith.index_cast %parallel_loop3A_191 : i32 to index
        %parallel_loop3A_205 = arith.constant 16 : index
        %parallel_loop3A_206 = tpu.vector_load %arg6[%parallel_loop3A_204, %parallel_loop3A_205] {strides = array<i32>} : memref<128x64xf32, #tpu.memory_space<vmem>>, vector<1x16xf32>,
        %parallel_loop3A_207 = vector.shape_cast %parallel_loop3A_206 : vector<1x16xf32> to vector<16xf32>
        %parallel_loop3A_208 = arith.constant 8.000000e+00 : f32
        %parallel_loop3A_209 = vector.broadcast %parallel_loop3A_208 : f32 to vector<16xf32>
        %parallel_loop3A_210 = arith.mulf %parallel_loop3A_207, %parallel_loop3A_209 : vector<16xf32>
        %parallel_loop3A_211 = arith.index_cast %parallel_loop3A_191 : i32 to index
        %parallel_loop3A_212 = arith.constant 16 : index
        %parallel_loop3A_213 = tpu.vector_load %arg6[%parallel_loop3A_211, %parallel_loop3A_212] {strides = array<i32>} : memref<128x64xf32, #tpu.memory_space<vmem>>, vector<1x16xf32>,
        %parallel_loop3A_214 = vector.shape_cast %parallel_loop3A_213 : vector<1x16xf32> to vector<16xf32>
        %parallel_loop3A_215 = vector.shape_cast %parallel_loop3A_210 : vector<16xf32> to vector<1x16xf32>
        tpu.vector_store %arg6[%parallel_loop3A_211, %parallel_loop3A_212], %parallel_loop3A_215 {strides = array<i32>} : memref<128x64xf32, #tpu.memory_space<vmem>>, vector<1x16xf32>,
        %parallel_loop3A_216 = arith.index_cast %parallel_loop3A_191 : i32 to index
        %parallel_loop3A_217 = arith.constant 32 : index
        %parallel_loop3A_218 = tpu.vector_load %arg6[%parallel_loop3A_216, %parallel_loop3A_217] {strides = array<i32>} : memref<128x64xf32, #tpu.memory_space<vmem>>, vector<1x16xf32>,
        %parallel_loop3A_219 = vector.shape_cast %parallel_loop3A_218 : vector<1x16xf32> to vector<16xf32>
        %parallel_loop3A_220 = arith.constant 8.000000e+00 : f32
        %parallel_loop3A_221 = vector.broadcast %parallel_loop3A_220 : f32 to vector<16xf32>
        %parallel_loop3A_222 = arith.mulf %parallel_loop3A_219, %parallel_loop3A_221 : vector<16xf32>
        %parallel_loop3A_223 = arith.index_cast %parallel_loop3A_191 : i32 to index
        %parallel_loop3A_224 = arith.constant 32 : index
        %parallel_loop3A_225 = tpu.vector_load %arg6[%parallel_loop3A_223, %parallel_loop3A_224] {strides = array<i32>} : memref<128x64xf32, #tpu.memory_space<vmem>>, vector<1x16xf32>,
        %parallel_loop3A_226 = vector.shape_cast %parallel_loop3A_225 : vector<1x16xf32> to vector<16xf32>
        %parallel_loop3A_227 = vector.shape_cast %parallel_loop3A_222 : vector<16xf32> to vector<1x16xf32>
        tpu.vector_store %arg6[%parallel_loop3A_223, %parallel_loop3A_224], %parallel_loop3A_227 {strides = array<i32>} : memref<128x64xf32, #tpu.memory_space<vmem>>, vector<1x16xf32>,
        %parallel_loop3A_228 = arith.index_cast %parallel_loop3A_191 : i32 to index
        %parallel_loop3A_229 = arith.constant 48 : index
        %parallel_loop3A_230 = tpu.vector_load %arg6[%parallel_loop3A_228, %parallel_loop3A_229] {strides = array<i32>} : memref<128x64xf32, #tpu.memory_space<vmem>>, vector<1x16xf32>,
        %parallel_loop3A_231 = vector.shape_cast %parallel_loop3A_230 : vector<1x16xf32> to vector<16xf32>
        %parallel_loop3A_232 = arith.constant 8.000000e+00 : f32
        %parallel_loop3A_233 = vector.broadcast %parallel_loop3A_232 : f32 to vector<16xf32>
        %parallel_loop3A_234 = arith.mulf %parallel_loop3A_231, %parallel_loop3A_233 : vector<16xf32>
        %parallel_loop3A_235 = arith.index_cast %parallel_loop3A_191 : i32 to index
        %parallel_loop3A_236 = arith.constant 48 : index
        %parallel_loop3A_237 = tpu.vector_load %arg6[%parallel_loop3A_235, %parallel_loop3A_236] {strides = array<i32>} : memref<128x64xf32, #tpu.memory_space<vmem>>, vector<1x16xf32>,
        %parallel_loop3A_238 = vector.shape_cast %parallel_loop3A_237 : vector<1x16xf32> to vector<16xf32>
        %parallel_loop3A_239 = vector.shape_cast %parallel_loop3A_234 : vector<16xf32> to vector<1x16xf32>
        tpu.vector_store %arg6[%parallel_loop3A_235, %parallel_loop3A_236], %parallel_loop3A_239 {strides = array<i32>} : memref<128x64xf32, #tpu.memory_space<vmem>>, vector<1x16xf32>,
      } {sc.loop_unroll_factor = 4 : i64, sc.parallel_access}
      %mul3A_72 = arith.constant 128 : i32
      %mul3A_73 = arith.muli %add3A_63, %mul3A_72 : i32
      %add3A_74 = arith.addi %mul3A_4, %mul3A_73 : i32
      %dma_start3A_75 = arith.constant 0 : i32
      %dma_start3A_76 = tpu.memref_slice %arg4[%add3A_74, %dma_start3A_75] : memref<819200x64xf32, #tpu.memory_space<hbm>> -> memref<128x64xf32, #tpu.memory_space<hbm>>
      %dma_start3A_77 = arith.constant 0 : i32
      %dma_start3A_78 = tpu.memref_slice %arg4[%add3A_74, %dma_start3A_77] : memref<819200x64xf32, #tpu.memory_space<hbm>> -> memref<128x64xf32, #tpu.memory_space<hbm>>
      tpu.enqueue_dma source(%arg6 : memref<128x64xf32, #tpu.memory_space<vmem>>) target(%dma_start3A_78 : memref<128x64xf32, #tpu.memory_space<hbm>>) target_semaphore(%arg16 : memref<!tpu.dma_semaphore, #tpu.memory_space<semaphore_mem>>)
      %add3A_79 = arith.constant 3 : i32
      %add3A_80 = arith.addi %add3A_63, %add3A_79 : i32
      %lt3A = arith.constant 200 : i32
      %lt3A_81 = arith.cmpi slt, %add3A_80, %lt3A : i32
      %convert_element_type3A = arith.extui %lt3A_81 : i1 to i32
      %cond3A = arith.constant 0 : i32
      %cond3A_82 = arith.cmpi ne, %convert_element_type3A, %cond3A : i32
      scf.if %cond3A_82 {
        %ge3A = arith.constant 5 : i32
        %ge3A_191 = arith.cmpi sge, %add3A_80, %ge3A : i32
        %convert_element_type3A_192 = arith.extui %ge3A_191 : i1 to i32
        %cond3A_193 = arith.constant 0 : i32
        %cond3A_194 = arith.cmpi ne, %convert_element_type3A_192, %cond3A_193 : i32
        scf.if %cond3A_194 {
          %sub3A = arith.constant 5 : i32
          %sub3A_201 = arith.subi %add3A_80, %sub3A : i32
          %mul3A_202 = arith.constant 128 : i32
          %mul3A_203 = arith.muli %sub3A_201, %mul3A_202 : i32
          %add3A_204 = arith.addi %mul3A_4, %mul3A_203 : i32
          %dma_wait3A_205 = arith.constant 0 : i32
          %dma_wait3A_206 = tpu.memref_slice %arg4[%add3A_204, %dma_wait3A_205] : memref<819200x64xf32, #tpu.memory_space<hbm>> -> memref<128x64xf32, #tpu.memory_space<hbm>>
          %dma_wait3A_207 = arith.constant 0 : i32
          %dma_wait3A_208 = tpu.memref_slice %arg4[%add3A_204, %dma_wait3A_207] : memref<819200x64xf32, #tpu.memory_space<hbm>> -> memref<128x64xf32, #tpu.memory_space<hbm>>
          tpu.wait_dma2 semaphore(%arg19 : memref<!tpu.dma_semaphore, #tpu.memory_space<semaphore_mem>>) src(%arg9 : memref<128x64xf32, #tpu.memory_space<vmem>>) dst(%dma_wait3A_208 : memref<128x64xf32, #tpu.memory_space<hbm>>)
        } else {
        }
        %dma_start3A_195 = arith.constant 0 : i32
        %dma_start3A_196 = tpu.memref_slice %arg5[%add3A_80, %dma_start3A_195] : memref<200x128xi32, #tpu.memory_space<vmem>> -> memref<1x128xi32, #tpu.memory_space<vmem>>
        %dma_start3A_197 = tpu.memref_squeeze %dma_start3A_196 : memref<1x128xi32, #tpu.memory_space<vmem>> -> memref<128xi32, #tpu.memory_space<vmem>>
        %dma_start3A_198 = arith.constant 0 : i32
        %dma_start3A_199 = arith.constant 0 : i32
        %dma_start3A_200 = tpu.memref_slice %arg3[%dma_start3A_198, %dma_start3A_199] : memref<1000000x64xf32, #tpu.memory_space<hbm>> -> memref<1000000x64xf32, #tpu.memory_space<hbm>>
        tpu.enqueue_indirect_dma source(%dma_start3A_200 : memref<1000000x64xf32, #tpu.memory_space<hbm>>) target(%arg9 : memref<128x64xf32, #tpu.memory_space<vmem>>) offsets(%dma_start3A_197 : memref<128xi32, #tpu.memory_space<vmem>>) semaphore(%arg14 : memref<!tpu.dma_semaphore, #tpu.memory_space<semaphore_mem>>)
      } else {
      }
      %mul3A_83 = arith.constant 5 : i32
      %mul3A_84 = arith.muli %scan3A_59, %mul3A_83 : i32
      %add3A_85 = arith.constant 1 : i32
      %add3A_86 = arith.addi %mul3A_84, %add3A_85 : i32
      %dma_wait3A_87 = arith.constant 0 : i32
      %dma_wait3A_88 = tpu.memref_slice %arg5[%add3A_86, %dma_wait3A_87] : memref<200x128xi32, #tpu.memory_space<vmem>> -> memref<1x128xi32, #tpu.memory_space<vmem>>
      %dma_wait3A_89 = tpu.memref_squeeze %dma_wait3A_88 : memref<1x128xi32, #tpu.memory_space<vmem>> -> memref<128xi32, #tpu.memory_space<vmem>>
      %dma_wait3A_90 = arith.constant 0 : i32
      %dma_wait3A_91 = arith.constant 0 : i32
      %dma_wait3A_92 = tpu.memref_slice %arg3[%dma_wait3A_90, %dma_wait3A_91] : memref<1000000x64xf32, #tpu.memory_space<hbm>> -> memref<1000000x64xf32, #tpu.memory_space<hbm>>
      tpu.wait_indirect_dma semaphore(%arg12 : memref<!tpu.dma_semaphore, #tpu.memory_space<semaphore_mem>>) src(%dma_wait3A_92 : memref<1000000x64xf32, #tpu.memory_space<hbm>>) dst(%arg7 : memref<128x64xf32, #tpu.memory_space<vmem>>)
      %parallel_loop3A_93 = arith.constant 0 : i32
      %parallel_loop3A_94 = arith.constant 128 : i32
      %parallel_loop3A_95 = arith.constant 1 : i32
      scf.for %parallel_loop3A_191 = %parallel_loop3A_93 to %parallel_loop3A_94 step %parallel_loop3A_95  : i32 {
        %parallel_loop3A_192 = arith.index_cast %parallel_loop3A_191 : i32 to index
        %parallel_loop3A_193 = arith.constant 0 : index
        %parallel_loop3A_194 = tpu.vector_load %arg7[%parallel_loop3A_192, %parallel_loop3A_193] {strides = array<i32>} : memref<128x64xf32, #tpu.memory_space<vmem>>, vector<1x16xf32>,
        %parallel_loop3A_195 = vector.shape_cast %parallel_loop3A_194 : vector<1x16xf32> to vector<16xf32>
        %parallel_loop3A_196 = arith.constant 8.000000e+00 : f32
        %parallel_loop3A_197 = vector.broadcast %parallel_loop3A_196 : f32 to vector<16xf32>
        %parallel_loop3A_198 = arith.mulf %parallel_loop3A_195, %parallel_loop3A_197 : vector<16xf32>
        %parallel_loop3A_199 = arith.index_cast %parallel_loop3A_191 : i32 to index
        %parallel_loop3A_200 = arith.constant 0 : index
        %parallel_loop3A_201 = tpu.vector_load %arg7[%parallel_loop3A_199, %parallel_loop3A_200] {strides = array<i32>} : memref<128x64xf32, #tpu.memory_space<vmem>>, vector<1x16xf32>,
        %parallel_loop3A_202 = vector.shape_cast %parallel_loop3A_201 : vector<1x16xf32> to vector<16xf32>
        %parallel_loop3A_203 = vector.shape_cast %parallel_loop3A_198 : vector<16xf32> to vector<1x16xf32>
        tpu.vector_store %arg7[%parallel_loop3A_199, %parallel_loop3A_200], %parallel_loop3A_203 {strides = array<i32>} : memref<128x64xf32, #tpu.memory_space<vmem>>, vector<1x16xf32>,
        %parallel_loop3A_204 = arith.index_cast %parallel_loop3A_191 : i32 to index
        %parallel_loop3A_205 = arith.constant 16 : index
        %parallel_loop3A_206 = tpu.vector_load %arg7[%parallel_loop3A_204, %parallel_loop3A_205] {strides = array<i32>} : memref<128x64xf32, #tpu.memory_space<vmem>>, vector<1x16xf32>,
        %parallel_loop3A_207 = vector.shape_cast %parallel_loop3A_206 : vector<1x16xf32> to vector<16xf32>
        %parallel_loop3A_208 = arith.constant 8.000000e+00 : f32
        %parallel_loop3A_209 = vector.broadcast %parallel_loop3A_208 : f32 to vector<16xf32>
        %parallel_loop3A_210 = arith.mulf %parallel_loop3A_207, %parallel_loop3A_209 : vector<16xf32>
        %parallel_loop3A_211 = arith.index_cast %parallel_loop3A_191 : i32 to index
        %parallel_loop3A_212 = arith.constant 16 : index
        %parallel_loop3A_213 = tpu.vector_load %arg7[%parallel_loop3A_211, %parallel_loop3A_212] {strides = array<i32>} : memref<128x64xf32, #tpu.memory_space<vmem>>, vector<1x16xf32>,
        %parallel_loop3A_214 = vector.shape_cast %parallel_loop3A_213 : vector<1x16xf32> to vector<16xf32>
        %parallel_loop3A_215 = vector.shape_cast %parallel_loop3A_210 : vector<16xf32> to vector<1x16xf32>
        tpu.vector_store %arg7[%parallel_loop3A_211, %parallel_loop3A_212], %parallel_loop3A_215 {strides = array<i32>} : memref<128x64xf32, #tpu.memory_space<vmem>>, vector<1x16xf32>,
        %parallel_loop3A_216 = arith.index_cast %parallel_loop3A_191 : i32 to index
        %parallel_loop3A_217 = arith.constant 32 : index
        %parallel_loop3A_218 = tpu.vector_load %arg7[%parallel_loop3A_216, %parallel_loop3A_217] {strides = array<i32>} : memref<128x64xf32, #tpu.memory_space<vmem>>, vector<1x16xf32>,
        %parallel_loop3A_219 = vector.shape_cast %parallel_loop3A_218 : vector<1x16xf32> to vector<16xf32>
        %parallel_loop3A_220 = arith.constant 8.000000e+00 : f32
        %parallel_loop3A_221 = vector.broadcast %parallel_loop3A_220 : f32 to vector<16xf32>
        %parallel_loop3A_222 = arith.mulf %parallel_loop3A_219, %parallel_loop3A_221 : vector<16xf32>
        %parallel_loop3A_223 = arith.index_cast %parallel_loop3A_191 : i32 to index
        %parallel_loop3A_224 = arith.constant 32 : index
        %parallel_loop3A_225 = tpu.vector_load %arg7[%parallel_loop3A_223, %parallel_loop3A_224] {strides = array<i32>} : memref<128x64xf32, #tpu.memory_space<vmem>>, vector<1x16xf32>,
        %parallel_loop3A_226 = vector.shape_cast %parallel_loop3A_225 : vector<1x16xf32> to vector<16xf32>
        %parallel_loop3A_227 = vector.shape_cast %parallel_loop3A_222 : vector<16xf32> to vector<1x16xf32>
        tpu.vector_store %arg7[%parallel_loop3A_223, %parallel_loop3A_224], %parallel_loop3A_227 {strides = array<i32>} : memref<128x64xf32, #tpu.memory_space<vmem>>, vector<1x16xf32>,
        %parallel_loop3A_228 = arith.index_cast %parallel_loop3A_191 : i32 to index
        %parallel_loop3A_229 = arith.constant 48 : index
        %parallel_loop3A_230 = tpu.vector_load %arg7[%parallel_loop3A_228, %parallel_loop3A_229] {strides = array<i32>} : memref<128x64xf32, #tpu.memory_space<vmem>>, vector<1x16xf32>,
        %parallel_loop3A_231 = vector.shape_cast %parallel_loop3A_230 : vector<1x16xf32> to vector<16xf32>
        %parallel_loop3A_232 = arith.constant 8.000000e+00 : f32
        %parallel_loop3A_233 = vector.broadcast %parallel_loop3A_232 : f32 to vector<16xf32>
        %parallel_loop3A_234 = arith.mulf %parallel_loop3A_231, %parallel_loop3A_233 : vector<16xf32>
        %parallel_loop3A_235 = arith.index_cast %parallel_loop3A_191 : i32 to index
        %parallel_loop3A_236 = arith.constant 48 : index
        %parallel_loop3A_237 = tpu.vector_load %arg7[%parallel_loop3A_235, %parallel_loop3A_236] {strides = array<i32>} : memref<128x64xf32, #tpu.memory_space<vmem>>, vector<1x16xf32>,
        %parallel_loop3A_238 = vector.shape_cast %parallel_loop3A_237 : vector<1x16xf32> to vector<16xf32>
        %parallel_loop3A_239 = vector.shape_cast %parallel_loop3A_234 : vector<16xf32> to vector<1x16xf32>
        tpu.vector_store %arg7[%parallel_loop3A_235, %parallel_loop3A_236], %parallel_loop3A_239 {strides = array<i32>} : memref<128x64xf32, #tpu.memory_space<vmem>>, vector<1x16xf32>,
      } {sc.loop_unroll_factor = 4 : i64, sc.parallel_access}
      %mul3A_96 = arith.constant 128 : i32
      %mul3A_97 = arith.muli %add3A_86, %mul3A_96 : i32
      %add3A_98 = arith.addi %mul3A_4, %mul3A_97 : i32
      %dma_start3A_99 = arith.constant 0 : i32
      %dma_start3A_100 = tpu.memref_slice %arg4[%add3A_98, %dma_start3A_99] : memref<819200x64xf32, #tpu.memory_space<hbm>> -> memref<128x64xf32, #tpu.memory_space<hbm>>
      %dma_start3A_101 = arith.constant 0 : i32
      %dma_start3A_102 = tpu.memref_slice %arg4[%add3A_98, %dma_start3A_101] : memref<819200x64xf32, #tpu.memory_space<hbm>> -> memref<128x64xf32, #tpu.memory_space<hbm>>
      tpu.enqueue_dma source(%arg7 : memref<128x64xf32, #tpu.memory_space<vmem>>) target(%dma_start3A_102 : memref<128x64xf32, #tpu.memory_space<hbm>>) target_semaphore(%arg17 : memref<!tpu.dma_semaphore, #tpu.memory_space<semaphore_mem>>)
      %add3A_103 = arith.constant 3 : i32
      %add3A_104 = arith.addi %add3A_86, %add3A_103 : i32
      %lt3A_105 = arith.constant 200 : i32
      %lt3A_106 = arith.cmpi slt, %add3A_104, %lt3A_105 : i32
      %convert_element_type3A_107 = arith.extui %lt3A_106 : i1 to i32
      %cond3A_108 = arith.constant 0 : i32
      %cond3A_109 = arith.cmpi ne, %convert_element_type3A_107, %cond3A_108 : i32
      scf.if %cond3A_109 {
        %ge3A = arith.constant 5 : i32
        %ge3A_191 = arith.cmpi sge, %add3A_104, %ge3A : i32
        %convert_element_type3A_192 = arith.extui %ge3A_191 : i1 to i32
        %cond3A_193 = arith.constant 0 : i32
        %cond3A_194 = arith.cmpi ne, %convert_element_type3A_192, %cond3A_193 : i32
        scf.if %cond3A_194 {
          %sub3A = arith.constant 5 : i32
          %sub3A_201 = arith.subi %add3A_104, %sub3A : i32
          %mul3A_202 = arith.constant 128 : i32
          %mul3A_203 = arith.muli %sub3A_201, %mul3A_202 : i32
          %add3A_204 = arith.addi %mul3A_4, %mul3A_203 : i32
          %dma_wait3A_205 = arith.constant 0 : i32
          %dma_wait3A_206 = tpu.memref_slice %arg4[%add3A_204, %dma_wait3A_205] : memref<819200x64xf32, #tpu.memory_space<hbm>> -> memref<128x64xf32, #tpu.memory_space<hbm>>
          %dma_wait3A_207 = arith.constant 0 : i32
          %dma_wait3A_208 = tpu.memref_slice %arg4[%add3A_204, %dma_wait3A_207] : memref<819200x64xf32, #tpu.memory_space<hbm>> -> memref<128x64xf32, #tpu.memory_space<hbm>>
          tpu.wait_dma2 semaphore(%arg20 : memref<!tpu.dma_semaphore, #tpu.memory_space<semaphore_mem>>) src(%arg10 : memref<128x64xf32, #tpu.memory_space<vmem>>) dst(%dma_wait3A_208 : memref<128x64xf32, #tpu.memory_space<hbm>>)
        } else {
        }
        %dma_start3A_195 = arith.constant 0 : i32
        %dma_start3A_196 = tpu.memref_slice %arg5[%add3A_104, %dma_start3A_195] : memref<200x128xi32, #tpu.memory_space<vmem>> -> memref<1x128xi32, #tpu.memory_space<vmem>>
        %dma_start3A_197 = tpu.memref_squeeze %dma_start3A_196 : memref<1x128xi32, #tpu.memory_space<vmem>> -> memref<128xi32, #tpu.memory_space<vmem>>
        %dma_start3A_198 = arith.constant 0 : i32
        %dma_start3A_199 = arith.constant 0 : i32
        %dma_start3A_200 = tpu.memref_slice %arg3[%dma_start3A_198, %dma_start3A_199] : memref<1000000x64xf32, #tpu.memory_space<hbm>> -> memref<1000000x64xf32, #tpu.memory_space<hbm>>
        tpu.enqueue_indirect_dma source(%dma_start3A_200 : memref<1000000x64xf32, #tpu.memory_space<hbm>>) target(%arg10 : memref<128x64xf32, #tpu.memory_space<vmem>>) offsets(%dma_start3A_197 : memref<128xi32, #tpu.memory_space<vmem>>) semaphore(%arg15 : memref<!tpu.dma_semaphore, #tpu.memory_space<semaphore_mem>>)
      } else {
      }
      %mul3A_110 = arith.constant 5 : i32
      %mul3A_111 = arith.muli %scan3A_59, %mul3A_110 : i32
      %add3A_112 = arith.constant 2 : i32
      %add3A_113 = arith.addi %mul3A_111, %add3A_112 : i32
      %dma_wait3A_114 = arith.constant 0 : i32
      %dma_wait3A_115 = tpu.memref_slice %arg5[%add3A_113, %dma_wait3A_114] : memref<200x128xi32, #tpu.memory_space<vmem>> -> memref<1x128xi32, #tpu.memory_space<vmem>>
      %dma_wait3A_116 = tpu.memref_squeeze %dma_wait3A_115 : memref<1x128xi32, #tpu.memory_space<vmem>> -> memref<128xi32, #tpu.memory_space<vmem>>
      %dma_wait3A_117 = arith.constant 0 : i32
      %dma_wait3A_118 = arith.constant 0 : i32
      %dma_wait3A_119 = tpu.memref_slice %arg3[%dma_wait3A_117, %dma_wait3A_118] : memref<1000000x64xf32, #tpu.memory_space<hbm>> -> memref<1000000x64xf32, #tpu.memory_space<hbm>>
      tpu.wait_indirect_dma semaphore(%arg13 : memref<!tpu.dma_semaphore, #tpu.memory_space<semaphore_mem>>) src(%dma_wait3A_119 : memref<1000000x64xf32, #tpu.memory_space<hbm>>) dst(%arg8 : memref<128x64xf32, #tpu.memory_space<vmem>>)
      %parallel_loop3A_120 = arith.constant 0 : i32
      %parallel_loop3A_121 = arith.constant 128 : i32
      %parallel_loop3A_122 = arith.constant 1 : i32
      scf.for %parallel_loop3A_191 = %parallel_loop3A_120 to %parallel_loop3A_121 step %parallel_loop3A_122  : i32 {
        %parallel_loop3A_192 = arith.index_cast %parallel_loop3A_191 : i32 to index
        %parallel_loop3A_193 = arith.constant 0 : index
        %parallel_loop3A_194 = tpu.vector_load %arg8[%parallel_loop3A_192, %parallel_loop3A_193] {strides = array<i32>} : memref<128x64xf32, #tpu.memory_space<vmem>>, vector<1x16xf32>,
        %parallel_loop3A_195 = vector.shape_cast %parallel_loop3A_194 : vector<1x16xf32> to vector<16xf32>
        %parallel_loop3A_196 = arith.constant 8.000000e+00 : f32
        %parallel_loop3A_197 = vector.broadcast %parallel_loop3A_196 : f32 to vector<16xf32>
        %parallel_loop3A_198 = arith.mulf %parallel_loop3A_195, %parallel_loop3A_197 : vector<16xf32>
        %parallel_loop3A_199 = arith.index_cast %parallel_loop3A_191 : i32 to index
        %parallel_loop3A_200 = arith.constant 0 : index
        %parallel_loop3A_201 = tpu.vector_load %arg8[%parallel_loop3A_199, %parallel_loop3A_200] {strides = array<i32>} : memref<128x64xf32, #tpu.memory_space<vmem>>, vector<1x16xf32>,
        %parallel_loop3A_202 = vector.shape_cast %parallel_loop3A_201 : vector<1x16xf32> to vector<16xf32>
        %parallel_loop3A_203 = vector.shape_cast %parallel_loop3A_198 : vector<16xf32> to vector<1x16xf32>
        tpu.vector_store %arg8[%parallel_loop3A_199, %parallel_loop3A_200], %parallel_loop3A_203 {strides = array<i32>} : memref<128x64xf32, #tpu.memory_space<vmem>>, vector<1x16xf32>,
        %parallel_loop3A_204 = arith.index_cast %parallel_loop3A_191 : i32 to index
        %parallel_loop3A_205 = arith.constant 16 : index
        %parallel_loop3A_206 = tpu.vector_load %arg8[%parallel_loop3A_204, %parallel_loop3A_205] {strides = array<i32>} : memref<128x64xf32, #tpu.memory_space<vmem>>, vector<1x16xf32>,
        %parallel_loop3A_207 = vector.shape_cast %parallel_loop3A_206 : vector<1x16xf32> to vector<16xf32>
        %parallel_loop3A_208 = arith.constant 8.000000e+00 : f32
        %parallel_loop3A_209 = vector.broadcast %parallel_loop3A_208 : f32 to vector<16xf32>
        %parallel_loop3A_210 = arith.mulf %parallel_loop3A_207, %parallel_loop3A_209 : vector<16xf32>
        %parallel_loop3A_211 = arith.index_cast %parallel_loop3A_191 : i32 to index
        %parallel_loop3A_212 = arith.constant 16 : index
        %parallel_loop3A_213 = tpu.vector_load %arg8[%parallel_loop3A_211, %parallel_loop3A_212] {strides = array<i32>} : memref<128x64xf32, #tpu.memory_space<vmem>>, vector<1x16xf32>,
        %parallel_loop3A_214 = vector.shape_cast %parallel_loop3A_213 : vector<1x16xf32> to vector<16xf32>
        %parallel_loop3A_215 = vector.shape_cast %parallel_loop3A_210 : vector<16xf32> to vector<1x16xf32>
        tpu.vector_store %arg8[%parallel_loop3A_211, %parallel_loop3A_212], %parallel_loop3A_215 {strides = array<i32>} : memref<128x64xf32, #tpu.memory_space<vmem>>, vector<1x16xf32>,
        %parallel_loop3A_216 = arith.index_cast %parallel_loop3A_191 : i32 to index
        %parallel_loop3A_217 = arith.constant 32 : index
        %parallel_loop3A_218 = tpu.vector_load %arg8[%parallel_loop3A_216, %parallel_loop3A_217] {strides = array<i32>} : memref<128x64xf32, #tpu.memory_space<vmem>>, vector<1x16xf32>,
        %parallel_loop3A_219 = vector.shape_cast %parallel_loop3A_218 : vector<1x16xf32> to vector<16xf32>
        %parallel_loop3A_220 = arith.constant 8.000000e+00 : f32
        %parallel_loop3A_221 = vector.broadcast %parallel_loop3A_220 : f32 to vector<16xf32>
        %parallel_loop3A_222 = arith.mulf %parallel_loop3A_219, %parallel_loop3A_221 : vector<16xf32>
        %parallel_loop3A_223 = arith.index_cast %parallel_loop3A_191 : i32 to index
        %parallel_loop3A_224 = arith.constant 32 : index
        %parallel_loop3A_225 = tpu.vector_load %arg8[%parallel_loop3A_223, %parallel_loop3A_224] {strides = array<i32>} : memref<128x64xf32, #tpu.memory_space<vmem>>, vector<1x16xf32>,
        %parallel_loop3A_226 = vector.shape_cast %parallel_loop3A_225 : vector<1x16xf32> to vector<16xf32>
        %parallel_loop3A_227 = vector.shape_cast %parallel_loop3A_222 : vector<16xf32> to vector<1x16xf32>
        tpu.vector_store %arg8[%parallel_loop3A_223, %parallel_loop3A_224], %parallel_loop3A_227 {strides = array<i32>} : memref<128x64xf32, #tpu.memory_space<vmem>>, vector<1x16xf32>,
        %parallel_loop3A_228 = arith.index_cast %parallel_loop3A_191 : i32 to index
        %parallel_loop3A_229 = arith.constant 48 : index
        %parallel_loop3A_230 = tpu.vector_load %arg8[%parallel_loop3A_228, %parallel_loop3A_229] {strides = array<i32>} : memref<128x64xf32, #tpu.memory_space<vmem>>, vector<1x16xf32>,
        %parallel_loop3A_231 = vector.shape_cast %parallel_loop3A_230 : vector<1x16xf32> to vector<16xf32>
        %parallel_loop3A_232 = arith.constant 8.000000e+00 : f32
        %parallel_loop3A_233 = vector.broadcast %parallel_loop3A_232 : f32 to vector<16xf32>
        %parallel_loop3A_234 = arith.mulf %parallel_loop3A_231, %parallel_loop3A_233 : vector<16xf32>
        %parallel_loop3A_235 = arith.index_cast %parallel_loop3A_191 : i32 to index
        %parallel_loop3A_236 = arith.constant 48 : index
        %parallel_loop3A_237 = tpu.vector_load %arg8[%parallel_loop3A_235, %parallel_loop3A_236] {strides = array<i32>} : memref<128x64xf32, #tpu.memory_space<vmem>>, vector<1x16xf32>,
        %parallel_loop3A_238 = vector.shape_cast %parallel_loop3A_237 : vector<1x16xf32> to vector<16xf32>
        %parallel_loop3A_239 = vector.shape_cast %parallel_loop3A_234 : vector<16xf32> to vector<1x16xf32>
        tpu.vector_store %arg8[%parallel_loop3A_235, %parallel_loop3A_236], %parallel_loop3A_239 {strides = array<i32>} : memref<128x64xf32, #tpu.memory_space<vmem>>, vector<1x16xf32>,
      } {sc.loop_unroll_factor = 4 : i64, sc.parallel_access}
      %mul3A_123 = arith.constant 128 : i32
      %mul3A_124 = arith.muli %add3A_113, %mul3A_123 : i32
      %add3A_125 = arith.addi %mul3A_4, %mul3A_124 : i32
      %dma_start3A_126 = arith.constant 0 : i32
      %dma_start3A_127 = tpu.memref_slice %arg4[%add3A_125, %dma_start3A_126] : memref<819200x64xf32, #tpu.memory_space<hbm>> -> memref<128x64xf32, #tpu.memory_space<hbm>>
      %dma_start3A_128 = arith.constant 0 : i32
      %dma_start3A_129 = tpu.memref_slice %arg4[%add3A_125, %dma_start3A_128] : memref<819200x64xf32, #tpu.memory_space<hbm>> -> memref<128x64xf32, #tpu.memory_space<hbm>>
      tpu.enqueue_dma source(%arg8 : memref<128x64xf32, #tpu.memory_space<vmem>>) target(%dma_start3A_129 : memref<128x64xf32, #tpu.memory_space<hbm>>) target_semaphore(%arg18 : memref<!tpu.dma_semaphore, #tpu.memory_space<semaphore_mem>>)
      %add3A_130 = arith.constant 3 : i32
      %add3A_131 = arith.addi %add3A_113, %add3A_130 : i32
      %lt3A_132 = arith.constant 200 : i32
      %lt3A_133 = arith.cmpi slt, %add3A_131, %lt3A_132 : i32
      %convert_element_type3A_134 = arith.extui %lt3A_133 : i1 to i32
      %cond3A_135 = arith.constant 0 : i32
      %cond3A_136 = arith.cmpi ne, %convert_element_type3A_134, %cond3A_135 : i32
      scf.if %cond3A_136 {
        %ge3A = arith.constant 5 : i32
        %ge3A_191 = arith.cmpi sge, %add3A_131, %ge3A : i32
        %convert_element_type3A_192 = arith.extui %ge3A_191 : i1 to i32
        %cond3A_193 = arith.constant 0 : i32
        %cond3A_194 = arith.cmpi ne, %convert_element_type3A_192, %cond3A_193 : i32
        scf.if %cond3A_194 {
          %sub3A = arith.constant 5 : i32
          %sub3A_201 = arith.subi %add3A_131, %sub3A : i32
          %mul3A_202 = arith.constant 128 : i32
          %mul3A_203 = arith.muli %sub3A_201, %mul3A_202 : i32
          %add3A_204 = arith.addi %mul3A_4, %mul3A_203 : i32
          %dma_wait3A_205 = arith.constant 0 : i32
          %dma_wait3A_206 = tpu.memref_slice %arg4[%add3A_204, %dma_wait3A_205] : memref<819200x64xf32, #tpu.memory_space<hbm>> -> memref<128x64xf32, #tpu.memory_space<hbm>>
          %dma_wait3A_207 = arith.constant 0 : i32
          %dma_wait3A_208 = tpu.memref_slice %arg4[%add3A_204, %dma_wait3A_207] : memref<819200x64xf32, #tpu.memory_space<hbm>> -> memref<128x64xf32, #tpu.memory_space<hbm>>
          tpu.wait_dma2 semaphore(%arg16 : memref<!tpu.dma_semaphore, #tpu.memory_space<semaphore_mem>>) src(%arg6 : memref<128x64xf32, #tpu.memory_space<vmem>>) dst(%dma_wait3A_208 : memref<128x64xf32, #tpu.memory_space<hbm>>)
        } else {
        }
        %dma_start3A_195 = arith.constant 0 : i32
        %dma_start3A_196 = tpu.memref_slice %arg5[%add3A_131, %dma_start3A_195] : memref<200x128xi32, #tpu.memory_space<vmem>> -> memref<1x128xi32, #tpu.memory_space<vmem>>
        %dma_start3A_197 = tpu.memref_squeeze %dma_start3A_196 : memref<1x128xi32, #tpu.memory_space<vmem>> -> memref<128xi32, #tpu.memory_space<vmem>>
        %dma_start3A_198 = arith.constant 0 : i32
        %dma_start3A_199 = arith.constant 0 : i32
        %dma_start3A_200 = tpu.memref_slice %arg3[%dma_start3A_198, %dma_start3A_199] : memref<1000000x64xf32, #tpu.memory_space<hbm>> -> memref<1000000x64xf32, #tpu.memory_space<hbm>>
        tpu.enqueue_indirect_dma source(%dma_start3A_200 : memref<1000000x64xf32, #tpu.memory_space<hbm>>) target(%arg6 : memref<128x64xf32, #tpu.memory_space<vmem>>) offsets(%dma_start3A_197 : memref<128xi32, #tpu.memory_space<vmem>>) semaphore(%arg11 : memref<!tpu.dma_semaphore, #tpu.memory_space<semaphore_mem>>)
      } else {
      }
      %mul3A_137 = arith.constant 5 : i32
      %mul3A_138 = arith.muli %scan3A_59, %mul3A_137 : i32
      %add3A_139 = arith.constant 3 : i32
      %add3A_140 = arith.addi %mul3A_138, %add3A_139 : i32
      %dma_wait3A_141 = arith.constant 0 : i32
      %dma_wait3A_142 = tpu.memref_slice %arg5[%add3A_140, %dma_wait3A_141] : memref<200x128xi32, #tpu.memory_space<vmem>> -> memref<1x128xi32, #tpu.memory_space<vmem>>
      %dma_wait3A_143 = tpu.memref_squeeze %dma_wait3A_142 : memref<1x128xi32, #tpu.memory_space<vmem>> -> memref<128xi32, #tpu.memory_space<vmem>>
      %dma_wait3A_144 = arith.constant 0 : i32
      %dma_wait3A_145 = arith.constant 0 : i32
      %dma_wait3A_146 = tpu.memref_slice %arg3[%dma_wait3A_144, %dma_wait3A_145] : memref<1000000x64xf32, #tpu.memory_space<hbm>> -> memref<1000000x64xf32, #tpu.memory_space<hbm>>
      tpu.wait_indirect_dma semaphore(%arg14 : memref<!tpu.dma_semaphore, #tpu.memory_space<semaphore_mem>>) src(%dma_wait3A_146 : memref<1000000x64xf32, #tpu.memory_space<hbm>>) dst(%arg9 : memref<128x64xf32, #tpu.memory_space<vmem>>)
      %parallel_loop3A_147 = arith.constant 0 : i32
      %parallel_loop3A_148 = arith.constant 128 : i32
      %parallel_loop3A_149 = arith.constant 1 : i32
      scf.for %parallel_loop3A_191 = %parallel_loop3A_147 to %parallel_loop3A_148 step %parallel_loop3A_149  : i32 {
        %parallel_loop3A_192 = arith.index_cast %parallel_loop3A_191 : i32 to index
        %parallel_loop3A_193 = arith.constant 0 : index
        %parallel_loop3A_194 = tpu.vector_load %arg9[%parallel_loop3A_192, %parallel_loop3A_193] {strides = array<i32>} : memref<128x64xf32, #tpu.memory_space<vmem>>, vector<1x16xf32>,
        %parallel_loop3A_195 = vector.shape_cast %parallel_loop3A_194 : vector<1x16xf32> to vector<16xf32>
        %parallel_loop3A_196 = arith.constant 8.000000e+00 : f32
        %parallel_loop3A_197 = vector.broadcast %parallel_loop3A_196 : f32 to vector<16xf32>
        %parallel_loop3A_198 = arith.mulf %parallel_loop3A_195, %parallel_loop3A_197 : vector<16xf32>
        %parallel_loop3A_199 = arith.index_cast %parallel_loop3A_191 : i32 to index
        %parallel_loop3A_200 = arith.constant 0 : index
        %parallel_loop3A_201 = tpu.vector_load %arg9[%parallel_loop3A_199, %parallel_loop3A_200] {strides = array<i32>} : memref<128x64xf32, #tpu.memory_space<vmem>>, vector<1x16xf32>,
        %parallel_loop3A_202 = vector.shape_cast %parallel_loop3A_201 : vector<1x16xf32> to vector<16xf32>
        %parallel_loop3A_203 = vector.shape_cast %parallel_loop3A_198 : vector<16xf32> to vector<1x16xf32>
        tpu.vector_store %arg9[%parallel_loop3A_199, %parallel_loop3A_200], %parallel_loop3A_203 {strides = array<i32>} : memref<128x64xf32, #tpu.memory_space<vmem>>, vector<1x16xf32>,
        %parallel_loop3A_204 = arith.index_cast %parallel_loop3A_191 : i32 to index
        %parallel_loop3A_205 = arith.constant 16 : index
        %parallel_loop3A_206 = tpu.vector_load %arg9[%parallel_loop3A_204, %parallel_loop3A_205] {strides = array<i32>} : memref<128x64xf32, #tpu.memory_space<vmem>>, vector<1x16xf32>,
        %parallel_loop3A_207 = vector.shape_cast %parallel_loop3A_206 : vector<1x16xf32> to vector<16xf32>
        %parallel_loop3A_208 = arith.constant 8.000000e+00 : f32
        %parallel_loop3A_209 = vector.broadcast %parallel_loop3A_208 : f32 to vector<16xf32>
        %parallel_loop3A_210 = arith.mulf %parallel_loop3A_207, %parallel_loop3A_209 : vector<16xf32>
        %parallel_loop3A_211 = arith.index_cast %parallel_loop3A_191 : i32 to index
        %parallel_loop3A_212 = arith.constant 16 : index
        %parallel_loop3A_213 = tpu.vector_load %arg9[%parallel_loop3A_211, %parallel_loop3A_212] {strides = array<i32>} : memref<128x64xf32, #tpu.memory_space<vmem>>, vector<1x16xf32>,
        %parallel_loop3A_214 = vector.shape_cast %parallel_loop3A_213 : vector<1x16xf32> to vector<16xf32>
        %parallel_loop3A_215 = vector.shape_cast %parallel_loop3A_210 : vector<16xf32> to vector<1x16xf32>
        tpu.vector_store %arg9[%parallel_loop3A_211, %parallel_loop3A_212], %parallel_loop3A_215 {strides = array<i32>} : memref<128x64xf32, #tpu.memory_space<vmem>>, vector<1x16xf32>,
        %parallel_loop3A_216 = arith.index_cast %parallel_loop3A_191 : i32 to index
        %parallel_loop3A_217 = arith.constant 32 : index
        %parallel_loop3A_218 = tpu.vector_load %arg9[%parallel_loop3A_216, %parallel_loop3A_217] {strides = array<i32>} : memref<128x64xf32, #tpu.memory_space<vmem>>, vector<1x16xf32>,
        %parallel_loop3A_219 = vector.shape_cast %parallel_loop3A_218 : vector<1x16xf32> to vector<16xf32>
        %parallel_loop3A_220 = arith.constant 8.000000e+00 : f32
        %parallel_loop3A_221 = vector.broadcast %parallel_loop3A_220 : f32 to vector<16xf32>
        %parallel_loop3A_222 = arith.mulf %parallel_loop3A_219, %parallel_loop3A_221 : vector<16xf32>
        %parallel_loop3A_223 = arith.index_cast %parallel_loop3A_191 : i32 to index
        %parallel_loop3A_224 = arith.constant 32 : index
        %parallel_loop3A_225 = tpu.vector_load %arg9[%parallel_loop3A_223, %parallel_loop3A_224] {strides = array<i32>} : memref<128x64xf32, #tpu.memory_space<vmem>>, vector<1x16xf32>,
        %parallel_loop3A_226 = vector.shape_cast %parallel_loop3A_225 : vector<1x16xf32> to vector<16xf32>
        %parallel_loop3A_227 = vector.shape_cast %parallel_loop3A_222 : vector<16xf32> to vector<1x16xf32>
        tpu.vector_store %arg9[%parallel_loop3A_223, %parallel_loop3A_224], %parallel_loop3A_227 {strides = array<i32>} : memref<128x64xf32, #tpu.memory_space<vmem>>, vector<1x16xf32>,
        %parallel_loop3A_228 = arith.index_cast %parallel_loop3A_191 : i32 to index
        %parallel_loop3A_229 = arith.constant 48 : index
        %parallel_loop3A_230 = tpu.vector_load %arg9[%parallel_loop3A_228, %parallel_loop3A_229] {strides = array<i32>} : memref<128x64xf32, #tpu.memory_space<vmem>>, vector<1x16xf32>,
        %parallel_loop3A_231 = vector.shape_cast %parallel_loop3A_230 : vector<1x16xf32> to vector<16xf32>
        %parallel_loop3A_232 = arith.constant 8.000000e+00 : f32
        %parallel_loop3A_233 = vector.broadcast %parallel_loop3A_232 : f32 to vector<16xf32>
        %parallel_loop3A_234 = arith.mulf %parallel_loop3A_231, %parallel_loop3A_233 : vector<16xf32>
        %parallel_loop3A_235 = arith.index_cast %parallel_loop3A_191 : i32 to index
        %parallel_loop3A_236 = arith.constant 48 : index
        %parallel_loop3A_237 = tpu.vector_load %arg9[%parallel_loop3A_235, %parallel_loop3A_236] {strides = array<i32>} : memref<128x64xf32, #tpu.memory_space<vmem>>, vector<1x16xf32>,
        %parallel_loop3A_238 = vector.shape_cast %parallel_loop3A_237 : vector<1x16xf32> to vector<16xf32>
        %parallel_loop3A_239 = vector.shape_cast %parallel_loop3A_234 : vector<16xf32> to vector<1x16xf32>
        tpu.vector_store %arg9[%parallel_loop3A_235, %parallel_loop3A_236], %parallel_loop3A_239 {strides = array<i32>} : memref<128x64xf32, #tpu.memory_space<vmem>>, vector<1x16xf32>,
      } {sc.loop_unroll_factor = 4 : i64, sc.parallel_access}
      %mul3A_150 = arith.constant 128 : i32
      %mul3A_151 = arith.muli %add3A_140, %mul3A_150 : i32
      %add3A_152 = arith.addi %mul3A_4, %mul3A_151 : i32
      %dma_start3A_153 = arith.constant 0 : i32
      %dma_start3A_154 = tpu.memref_slice %arg4[%add3A_152, %dma_start3A_153] : memref<819200x64xf32, #tpu.memory_space<hbm>> -> memref<128x64xf32, #tpu.memory_space<hbm>>
      %dma_start3A_155 = arith.constant 0 : i32
      %dma_start3A_156 = tpu.memref_slice %arg4[%add3A_152, %dma_start3A_155] : memref<819200x64xf32, #tpu.memory_space<hbm>> -> memref<128x64xf32, #tpu.memory_space<hbm>>
      tpu.enqueue_dma source(%arg9 : memref<128x64xf32, #tpu.memory_space<vmem>>) target(%dma_start3A_156 : memref<128x64xf32, #tpu.memory_space<hbm>>) target_semaphore(%arg19 : memref<!tpu.dma_semaphore, #tpu.memory_space<semaphore_mem>>)
      %add3A_157 = arith.constant 3 : i32
      %add3A_158 = arith.addi %add3A_140, %add3A_157 : i32
      %lt3A_159 = arith.constant 200 : i32
      %lt3A_160 = arith.cmpi slt, %add3A_158, %lt3A_159 : i32
      %convert_element_type3A_161 = arith.extui %lt3A_160 : i1 to i32
      %cond3A_162 = arith.constant 0 : i32
      %cond3A_163 = arith.cmpi ne, %convert_element_type3A_161, %cond3A_162 : i32
      scf.if %cond3A_163 {
        %ge3A = arith.constant 5 : i32
        %ge3A_191 = arith.cmpi sge, %add3A_158, %ge3A : i32
        %convert_element_type3A_192 = arith.extui %ge3A_191 : i1 to i32
        %cond3A_193 = arith.constant 0 : i32
        %cond3A_194 = arith.cmpi ne, %convert_element_type3A_192, %cond3A_193 : i32
        scf.if %cond3A_194 {
          %sub3A = arith.constant 5 : i32
          %sub3A_201 = arith.subi %add3A_158, %sub3A : i32
          %mul3A_202 = arith.constant 128 : i32
          %mul3A_203 = arith.muli %sub3A_201, %mul3A_202 : i32
          %add3A_204 = arith.addi %mul3A_4, %mul3A_203 : i32
          %dma_wait3A_205 = arith.constant 0 : i32
          %dma_wait3A_206 = tpu.memref_slice %arg4[%add3A_204, %dma_wait3A_205] : memref<819200x64xf32, #tpu.memory_space<hbm>> -> memref<128x64xf32, #tpu.memory_space<hbm>>
          %dma_wait3A_207 = arith.constant 0 : i32
          %dma_wait3A_208 = tpu.memref_slice %arg4[%add3A_204, %dma_wait3A_207] : memref<819200x64xf32, #tpu.memory_space<hbm>> -> memref<128x64xf32, #tpu.memory_space<hbm>>
          tpu.wait_dma2 semaphore(%arg17 : memref<!tpu.dma_semaphore, #tpu.memory_space<semaphore_mem>>) src(%arg7 : memref<128x64xf32, #tpu.memory_space<vmem>>) dst(%dma_wait3A_208 : memref<128x64xf32, #tpu.memory_space<hbm>>)
        } else {
        }
        %dma_start3A_195 = arith.constant 0 : i32
        %dma_start3A_196 = tpu.memref_slice %arg5[%add3A_158, %dma_start3A_195] : memref<200x128xi32, #tpu.memory_space<vmem>> -> memref<1x128xi32, #tpu.memory_space<vmem>>
        %dma_start3A_197 = tpu.memref_squeeze %dma_start3A_196 : memref<1x128xi32, #tpu.memory_space<vmem>> -> memref<128xi32, #tpu.memory_space<vmem>>
        %dma_start3A_198 = arith.constant 0 : i32
        %dma_start3A_199 = arith.constant 0 : i32
        %dma_start3A_200 = tpu.memref_slice %arg3[%dma_start3A_198, %dma_start3A_199] : memref<1000000x64xf32, #tpu.memory_space<hbm>> -> memref<1000000x64xf32, #tpu.memory_space<hbm>>
        tpu.enqueue_indirect_dma source(%dma_start3A_200 : memref<1000000x64xf32, #tpu.memory_space<hbm>>) target(%arg7 : memref<128x64xf32, #tpu.memory_space<vmem>>) offsets(%dma_start3A_197 : memref<128xi32, #tpu.memory_space<vmem>>) semaphore(%arg12 : memref<!tpu.dma_semaphore, #tpu.memory_space<semaphore_mem>>)
      } else {
      }
      %mul3A_164 = arith.constant 5 : i32
      %mul3A_165 = arith.muli %scan3A_59, %mul3A_164 : i32
      %add3A_166 = arith.constant 4 : i32
      %add3A_167 = arith.addi %mul3A_165, %add3A_166 : i32
      %dma_wait3A_168 = arith.constant 0 : i32
      %dma_wait3A_169 = tpu.memref_slice %arg5[%add3A_167, %dma_wait3A_168] : memref<200x128xi32, #tpu.memory_space<vmem>> -> memref<1x128xi32, #tpu.memory_space<vmem>>
      %dma_wait3A_170 = tpu.memref_squeeze %dma_wait3A_169 : memref<1x128xi32, #tpu.memory_space<vmem>> -> memref<128xi32, #tpu.memory_space<vmem>>
      %dma_wait3A_171 = arith.constant 0 : i32
      %dma_wait3A_172 = arith.constant 0 : i32
      %dma_wait3A_173 = tpu.memref_slice %arg3[%dma_wait3A_171, %dma_wait3A_172] : memref<1000000x64xf32, #tpu.memory_space<hbm>> -> memref<1000000x64xf32, #tpu.memory_space<hbm>>
      tpu.wait_indirect_dma semaphore(%arg15 : memref<!tpu.dma_semaphore, #tpu.memory_space<semaphore_mem>>) src(%dma_wait3A_173 : memref<1000000x64xf32, #tpu.memory_space<hbm>>) dst(%arg10 : memref<128x64xf32, #tpu.memory_space<vmem>>)
      %parallel_loop3A_174 = arith.constant 0 : i32
      %parallel_loop3A_175 = arith.constant 128 : i32
      %parallel_loop3A_176 = arith.constant 1 : i32
      scf.for %parallel_loop3A_191 = %parallel_loop3A_174 to %parallel_loop3A_175 step %parallel_loop3A_176  : i32 {
        %parallel_loop3A_192 = arith.index_cast %parallel_loop3A_191 : i32 to index
        %parallel_loop3A_193 = arith.constant 0 : index
        %parallel_loop3A_194 = tpu.vector_load %arg10[%parallel_loop3A_192, %parallel_loop3A_193] {strides = array<i32>} : memref<128x64xf32, #tpu.memory_space<vmem>>, vector<1x16xf32>,
        %parallel_loop3A_195 = vector.shape_cast %parallel_loop3A_194 : vector<1x16xf32> to vector<16xf32>
        %parallel_loop3A_196 = arith.constant 8.000000e+00 : f32
        %parallel_loop3A_197 = vector.broadcast %parallel_loop3A_196 : f32 to vector<16xf32>
        %parallel_loop3A_198 = arith.mulf %parallel_loop3A_195, %parallel_loop3A_197 : vector<16xf32>
        %parallel_loop3A_199 = arith.index_cast %parallel_loop3A_191 : i32 to index
        %parallel_loop3A_200 = arith.constant 0 : index
        %parallel_loop3A_201 = tpu.vector_load %arg10[%parallel_loop3A_199, %parallel_loop3A_200] {strides = array<i32>} : memref<128x64xf32, #tpu.memory_space<vmem>>, vector<1x16xf32>,
        %parallel_loop3A_202 = vector.shape_cast %parallel_loop3A_201 : vector<1x16xf32> to vector<16xf32>
        %parallel_loop3A_203 = vector.shape_cast %parallel_loop3A_198 : vector<16xf32> to vector<1x16xf32>
        tpu.vector_store %arg10[%parallel_loop3A_199, %parallel_loop3A_200], %parallel_loop3A_203 {strides = array<i32>} : memref<128x64xf32, #tpu.memory_space<vmem>>, vector<1x16xf32>,
        %parallel_loop3A_204 = arith.index_cast %parallel_loop3A_191 : i32 to index
        %parallel_loop3A_205 = arith.constant 16 : index
        %parallel_loop3A_206 = tpu.vector_load %arg10[%parallel_loop3A_204, %parallel_loop3A_205] {strides = array<i32>} : memref<128x64xf32, #tpu.memory_space<vmem>>, vector<1x16xf32>,
        %parallel_loop3A_207 = vector.shape_cast %parallel_loop3A_206 : vector<1x16xf32> to vector<16xf32>
        %parallel_loop3A_208 = arith.constant 8.000000e+00 : f32
        %parallel_loop3A_209 = vector.broadcast %parallel_loop3A_208 : f32 to vector<16xf32>
        %parallel_loop3A_210 = arith.mulf %parallel_loop3A_207, %parallel_loop3A_209 : vector<16xf32>
        %parallel_loop3A_211 = arith.index_cast %parallel_loop3A_191 : i32 to index
        %parallel_loop3A_212 = arith.constant 16 : index
        %parallel_loop3A_213 = tpu.vector_load %arg10[%parallel_loop3A_211, %parallel_loop3A_212] {strides = array<i32>} : memref<128x64xf32, #tpu.memory_space<vmem>>, vector<1x16xf32>,
        %parallel_loop3A_214 = vector.shape_cast %parallel_loop3A_213 : vector<1x16xf32> to vector<16xf32>
        %parallel_loop3A_215 = vector.shape_cast %parallel_loop3A_210 : vector<16xf32> to vector<1x16xf32>
        tpu.vector_store %arg10[%parallel_loop3A_211, %parallel_loop3A_212], %parallel_loop3A_215 {strides = array<i32>} : memref<128x64xf32, #tpu.memory_space<vmem>>, vector<1x16xf32>,
        %parallel_loop3A_216 = arith.index_cast %parallel_loop3A_191 : i32 to index
        %parallel_loop3A_217 = arith.constant 32 : index
        %parallel_loop3A_218 = tpu.vector_load %arg10[%parallel_loop3A_216, %parallel_loop3A_217] {strides = array<i32>} : memref<128x64xf32, #tpu.memory_space<vmem>>, vector<1x16xf32>,
        %parallel_loop3A_219 = vector.shape_cast %parallel_loop3A_218 : vector<1x16xf32> to vector<16xf32>
        %parallel_loop3A_220 = arith.constant 8.000000e+00 : f32
        %parallel_loop3A_221 = vector.broadcast %parallel_loop3A_220 : f32 to vector<16xf32>
        %parallel_loop3A_222 = arith.mulf %parallel_loop3A_219, %parallel_loop3A_221 : vector<16xf32>
        %parallel_loop3A_223 = arith.index_cast %parallel_loop3A_191 : i32 to index
        %parallel_loop3A_224 = arith.constant 32 : index
        %parallel_loop3A_225 = tpu.vector_load %arg10[%parallel_loop3A_223, %parallel_loop3A_224] {strides = array<i32>} : memref<128x64xf32, #tpu.memory_space<vmem>>, vector<1x16xf32>,
        %parallel_loop3A_226 = vector.shape_cast %parallel_loop3A_225 : vector<1x16xf32> to vector<16xf32>
        %parallel_loop3A_227 = vector.shape_cast %parallel_loop3A_222 : vector<16xf32> to vector<1x16xf32>
        tpu.vector_store %arg10[%parallel_loop3A_223, %parallel_loop3A_224], %parallel_loop3A_227 {strides = array<i32>} : memref<128x64xf32, #tpu.memory_space<vmem>>, vector<1x16xf32>,
        %parallel_loop3A_228 = arith.index_cast %parallel_loop3A_191 : i32 to index
        %parallel_loop3A_229 = arith.constant 48 : index
        %parallel_loop3A_230 = tpu.vector_load %arg10[%parallel_loop3A_228, %parallel_loop3A_229] {strides = array<i32>} : memref<128x64xf32, #tpu.memory_space<vmem>>, vector<1x16xf32>,
        %parallel_loop3A_231 = vector.shape_cast %parallel_loop3A_230 : vector<1x16xf32> to vector<16xf32>
        %parallel_loop3A_232 = arith.constant 8.000000e+00 : f32
        %parallel_loop3A_233 = vector.broadcast %parallel_loop3A_232 : f32 to vector<16xf32>
        %parallel_loop3A_234 = arith.mulf %parallel_loop3A_231, %parallel_loop3A_233 : vector<16xf32>
        %parallel_loop3A_235 = arith.index_cast %parallel_loop3A_191 : i32 to index
        %parallel_loop3A_236 = arith.constant 48 : index
        %parallel_loop3A_237 = tpu.vector_load %arg10[%parallel_loop3A_235, %parallel_loop3A_236] {strides = array<i32>} : memref<128x64xf32, #tpu.memory_space<vmem>>, vector<1x16xf32>,
        %parallel_loop3A_238 = vector.shape_cast %parallel_loop3A_237 : vector<1x16xf32> to vector<16xf32>
        %parallel_loop3A_239 = vector.shape_cast %parallel_loop3A_234 : vector<16xf32> to vector<1x16xf32>
        tpu.vector_store %arg10[%parallel_loop3A_235, %parallel_loop3A_236], %parallel_loop3A_239 {strides = array<i32>} : memref<128x64xf32, #tpu.memory_space<vmem>>, vector<1x16xf32>,
      } {sc.loop_unroll_factor = 4 : i64, sc.parallel_access}
      %mul3A_177 = arith.constant 128 : i32
      %mul3A_178 = arith.muli %add3A_167, %mul3A_177 : i32
      %add3A_179 = arith.addi %mul3A_4, %mul3A_178 : i32
      %dma_start3A_180 = arith.constant 0 : i32
      %dma_start3A_181 = tpu.memref_slice %arg4[%add3A_179, %dma_start3A_180] : memref<819200x64xf32, #tpu.memory_space<hbm>> -> memref<128x64xf32, #tpu.memory_space<hbm>>
      %dma_start3A_182 = arith.constant 0 : i32
      %dma_start3A_183 = tpu.memref_slice %arg4[%add3A_179, %dma_start3A_182] : memref<819200x64xf32, #tpu.memory_space<hbm>> -> memref<128x64xf32, #tpu.memory_space<hbm>>
      tpu.enqueue_dma source(%arg10 : memref<128x64xf32, #tpu.memory_space<vmem>>) target(%dma_start3A_183 : memref<128x64xf32, #tpu.memory_space<hbm>>) target_semaphore(%arg20 : memref<!tpu.dma_semaphore, #tpu.memory_space<semaphore_mem>>)
      %add3A_184 = arith.constant 3 : i32
      %add3A_185 = arith.addi %add3A_167, %add3A_184 : i32
      %lt3A_186 = arith.constant 200 : i32
      %lt3A_187 = arith.cmpi slt, %add3A_185, %lt3A_186 : i32
      %convert_element_type3A_188 = arith.extui %lt3A_187 : i1 to i32
      %cond3A_189 = arith.constant 0 : i32
      %cond3A_190 = arith.cmpi ne, %convert_element_type3A_188, %cond3A_189 : i32
      scf.if %cond3A_190 {
        %ge3A = arith.constant 5 : i32
        %ge3A_191 = arith.cmpi sge, %add3A_185, %ge3A : i32
        %convert_element_type3A_192 = arith.extui %ge3A_191 : i1 to i32
        %cond3A_193 = arith.constant 0 : i32
        %cond3A_194 = arith.cmpi ne, %convert_element_type3A_192, %cond3A_193 : i32
        scf.if %cond3A_194 {
          %sub3A = arith.constant 5 : i32
          %sub3A_201 = arith.subi %add3A_185, %sub3A : i32
          %mul3A_202 = arith.constant 128 : i32
          %mul3A_203 = arith.muli %sub3A_201, %mul3A_202 : i32
          %add3A_204 = arith.addi %mul3A_4, %mul3A_203 : i32
          %dma_wait3A_205 = arith.constant 0 : i32
          %dma_wait3A_206 = tpu.memref_slice %arg4[%add3A_204, %dma_wait3A_205] : memref<819200x64xf32, #tpu.memory_space<hbm>> -> memref<128x64xf32, #tpu.memory_space<hbm>>
          %dma_wait3A_207 = arith.constant 0 : i32
          %dma_wait3A_208 = tpu.memref_slice %arg4[%add3A_204, %dma_wait3A_207] : memref<819200x64xf32, #tpu.memory_space<hbm>> -> memref<128x64xf32, #tpu.memory_space<hbm>>
          tpu.wait_dma2 semaphore(%arg18 : memref<!tpu.dma_semaphore, #tpu.memory_space<semaphore_mem>>) src(%arg8 : memref<128x64xf32, #tpu.memory_space<vmem>>) dst(%dma_wait3A_208 : memref<128x64xf32, #tpu.memory_space<hbm>>)
        } else {
        }
        %dma_start3A_195 = arith.constant 0 : i32
        %dma_start3A_196 = tpu.memref_slice %arg5[%add3A_185, %dma_start3A_195] : memref<200x128xi32, #tpu.memory_space<vmem>> -> memref<1x128xi32, #tpu.memory_space<vmem>>
        %dma_start3A_197 = tpu.memref_squeeze %dma_start3A_196 : memref<1x128xi32, #tpu.memory_space<vmem>> -> memref<128xi32, #tpu.memory_space<vmem>>
        %dma_start3A_198 = arith.constant 0 : i32
        %dma_start3A_199 = arith.constant 0 : i32
        %dma_start3A_200 = tpu.memref_slice %arg3[%dma_start3A_198, %dma_start3A_199] : memref<1000000x64xf32, #tpu.memory_space<hbm>> -> memref<1000000x64xf32, #tpu.memory_space<hbm>>
        tpu.enqueue_indirect_dma source(%dma_start3A_200 : memref<1000000x64xf32, #tpu.memory_space<hbm>>) target(%arg8 : memref<128x64xf32, #tpu.memory_space<vmem>>) offsets(%dma_start3A_197 : memref<128xi32, #tpu.memory_space<vmem>>) semaphore(%arg13 : memref<!tpu.dma_semaphore, #tpu.memory_space<semaphore_mem>>)
      } else {
      }
    }
    %scan3A_29 = arith.constant 40 : i32
    %add3A_30 = arith.constant 24960 : i32
    %add3A_31 = arith.addi %mul3A_4, %add3A_30 : i32
    %dma_wait3A = arith.constant 0 : i32
    %dma_wait3A_32 = tpu.memref_slice %arg4[%add3A_31, %dma_wait3A] : memref<819200x64xf32, #tpu.memory_space<hbm>> -> memref<128x64xf32, #tpu.memory_space<hbm>>
    %dma_wait3A_33 = arith.constant 0 : i32
    %dma_wait3A_34 = tpu.memref_slice %arg4[%add3A_31, %dma_wait3A_33] : memref<819200x64xf32, #tpu.memory_space<hbm>> -> memref<128x64xf32, #tpu.memory_space<hbm>>
    tpu.wait_dma2 semaphore(%arg16 : memref<!tpu.dma_semaphore, #tpu.memory_space<semaphore_mem>>) src(%arg6 : memref<128x64xf32, #tpu.memory_space<vmem>>) dst(%dma_wait3A_34 : memref<128x64xf32, #tpu.memory_space<hbm>>)
    %add3A_35 = arith.constant 25088 : i32
    %add3A_36 = arith.addi %mul3A_4, %add3A_35 : i32
    %dma_wait3A_37 = arith.constant 0 : i32
    %dma_wait3A_38 = tpu.memref_slice %arg4[%add3A_36, %dma_wait3A_37] : memref<819200x64xf32, #tpu.memory_space<hbm>> -> memref<128x64xf32, #tpu.memory_space<hbm>>
    %dma_wait3A_39 = arith.constant 0 : i32
    %dma_wait3A_40 = tpu.memref_slice %arg4[%add3A_36, %dma_wait3A_39] : memref<819200x64xf32, #tpu.memory_space<hbm>> -> memref<128x64xf32, #tpu.memory_space<hbm>>
    tpu.wait_dma2 semaphore(%arg17 : memref<!tpu.dma_semaphore, #tpu.memory_space<semaphore_mem>>) src(%arg7 : memref<128x64xf32, #tpu.memory_space<vmem>>) dst(%dma_wait3A_40 : memref<128x64xf32, #tpu.memory_space<hbm>>)
    %add3A_41 = arith.constant 25216 : i32
    %add3A_42 = arith.addi %mul3A_4, %add3A_41 : i32
    %dma_wait3A_43 = arith.constant 0 : i32
    %dma_wait3A_44 = tpu.memref_slice %arg4[%add3A_42, %dma_wait3A_43] : memref<819200x64xf32, #tpu.memory_space<hbm>> -> memref<128x64xf32, #tpu.memory_space<hbm>>
    %dma_wait3A_45 = arith.constant 0 : i32
    %dma_wait3A_46 = tpu.memref_slice %arg4[%add3A_42, %dma_wait3A_45] : memref<819200x64xf32, #tpu.memory_space<hbm>> -> memref<128x64xf32, #tpu.memory_space<hbm>>
    tpu.wait_dma2 semaphore(%arg18 : memref<!tpu.dma_semaphore, #tpu.memory_space<semaphore_mem>>) src(%arg8 : memref<128x64xf32, #tpu.memory_space<vmem>>) dst(%dma_wait3A_46 : memref<128x64xf32, #tpu.memory_space<hbm>>)
    %add3A_47 = arith.constant 25344 : i32
    %add3A_48 = arith.addi %mul3A_4, %add3A_47 : i32
    %dma_wait3A_49 = arith.constant 0 : i32
    %dma_wait3A_50 = tpu.memref_slice %arg4[%add3A_48, %dma_wait3A_49] : memref<819200x64xf32, #tpu.memory_space<hbm>> -> memref<128x64xf32, #tpu.memory_space<hbm>>
    %dma_wait3A_51 = arith.constant 0 : i32
    %dma_wait3A_52 = tpu.memref_slice %arg4[%add3A_48, %dma_wait3A_51] : memref<819200x64xf32, #tpu.memory_space<hbm>> -> memref<128x64xf32, #tpu.memory_space<hbm>>
    tpu.wait_dma2 semaphore(%arg19 : memref<!tpu.dma_semaphore, #tpu.memory_space<semaphore_mem>>) src(%arg9 : memref<128x64xf32, #tpu.memory_space<vmem>>) dst(%dma_wait3A_52 : memref<128x64xf32, #tpu.memory_space<hbm>>)
    %add3A_53 = arith.constant 25472 : i32
    %add3A_54 = arith.addi %mul3A_4, %add3A_53 : i32
    %dma_wait3A_55 = arith.constant 0 : i32
    %dma_wait3A_56 = tpu.memref_slice %arg4[%add3A_54, %dma_wait3A_55] : memref<819200x64xf32, #tpu.memory_space<hbm>> -> memref<128x64xf32, #tpu.memory_space<hbm>>
    %dma_wait3A_57 = arith.constant 0 : i32
    %dma_wait3A_58 = tpu.memref_slice %arg4[%add3A_54, %dma_wait3A_57] : memref<819200x64xf32, #tpu.memory_space<hbm>> -> memref<128x64xf32, #tpu.memory_space<hbm>>
    tpu.wait_dma2 semaphore(%arg20 : memref<!tpu.dma_semaphore, #tpu.memory_space<semaphore_mem>>) src(%arg10 : memref<128x64xf32, #tpu.memory_space<vmem>>) dst(%dma_wait3A_58 : memref<128x64xf32, #tpu.memory_space<hbm>>)
    return
  }
}

</mosaic_0001>

<sc_bundles>
// kernel: _embed.3.cloned.1.call-start
scs
__scs_entry_jumppad:
0x0: {  	(pc) =	sbr.rel $0x88, $3  }
0x1: {  	(tag) =	ssettag $0x0;
	lr =	simm.s32 $0x1  }
0x2: {  	[smem:$0x3F9F] =	sst lr;
	_ =	strace $0xD0000000  }
0x3: {  	_ = 	snop  }
0x4: {  	_ = 	snop  }
0x5: {  	_ = 	snop  }
0x6: {  	_ = 	snop  }
0x7: {  	_ = 	snop  }
__scs_overlays_trampoline_lowered:
0x8: {  	[smem:$0x3FAE] =	sst s0  }
0x9: {  	[smem:$0x3FAF] =	sst s1  }
0xa: {  	[smem:$0x3FB0] =	sst s2  }
0xb: {  	[smem:$0x3FB1] =	sst s3  }
0xc: {  	[smem:$0x3FB2] =	sst s4  }
0xd: {  	[smem:$0x3FB3] =	sst s5  }
0xe: {  	[smem:$0x3FB4] =	sst s6  }
0xf: {  	[smem:$0x3FB5] =	sst s7  }
0x10: {  	[smem:$0x3FB6] =	sst s8  }
0x11: {  	[smem:$0x3FB7] =	sst s9;
	s0 =	simm.s32 @!p0 $0x0  }
0x12: {  	s1 =	sld [smem:$0x3F9D];
	s0 =	simm.s32 @p0 $0x1  }
0x13: {  	[smem:$0x3FB8] =	sst s0;
	s0 =	simm.s32 @!p1 $0x0  }
0x14: {  	s2 =	sld [smem:$0x3F9C];
	s0 =	simm.s32 @p1 $0x1  }
0x15: {  	[smem:$0x3FB9] =	sst s0;
	s0 =	simm.s32 @!p2 $0x0  }
0x16: {  	s3 =	sld [smem:$0x3FDB];
	s0 =	simm.s32 @p2 $0x1  }
0x17: {  	s4 =	simm.s32 $0x1BF5;
	[smem:$0x3FBB] =	sst s0  }
0x18: {  	s0 =	sld [smem:$0x3F9E];
	_ =	swait.ge [sflag:s4], $0x0  }
0x19: {  	s7 =	sld [smem:$0x3F9F]  }
0x1a: {  	s8 =	sadd.s32 $0xFFFFE003, lr  }
0x1b: {  	s9 =	sadd.s32 $0xFFFFFEF7, lr;
	s5 =	simm.s32 $0xFFFFFFFF;
	p2 =	slt.u32 s8, $0xFFFFF086  }
0x1c: {  	p1 =	slt.u32 s9, $0xF7A;
	s5 =	simm.s32 @!p2 $0x0  }
0x1d: {  	s5 =	simm.s32 @p1 $0x1;
	p0 =	seq.s32 s7, s2  }
0x1e: {  	s7 =	smul.u32 @!p0 $0xF7A, s2;
	p2 =	seq.s32 @!p0 s5, $0x0  }
0x1f: {  	s9 =	smul.u32 $0xF7A, s1;
	s8 =	simm.s32 @!p0 $0x1BF5;
	p2 =	por !p2, p0  }
0x20: {  	[sflag:s8] =	ssyncset.s32 @!p0 $0xFFFFF086;
	s6 =	sadd.s32 @!p0 s3, s7;
	s7 =	simm.s32 @!p0 $0x108  }
0x21: {  	s3 =	sadd.s32 s3, s9;
	s6 =	sadd.s32 @!p0 $0x88, s6;
	s7 =	simm.s32 @p2 $0x1082  }
0x22: {  	[simem:s7], [sflag:s8] =	dma.local @!p0 [hbm:s6], $0xF7A  }
0x23: {  	s9 =	sor.u32 $0xD0000000, s2;
	s6 =	simm.s32 $0x108;
	_ =	swait.ge @!p0 [sflag:s8], $0x0  }
0x24: {  	s3 =	sadd.s32 $0x88, s3;
	s6 =	simm.s32 @!p1 $0x1082;
	[sflag:s4] =	ssyncset.s32 $0xFFFFF086  }
0x25: {  	[simem:s6], [sflag:s4] =	dma.local [hbm:s3], $0xF7A  }
0x26: {  	[smem:$0x3F9F] =	sst s1;
	(tag) =	ssettag s2;
	_ =	strace s9  }
0x27: {  	s1 =	sld [smem:$0x3FAF]  }
0x28: {  	s2 =	sld [smem:$0x3FB0]  }
0x29: {  	s4 =	sld [smem:$0x3FB2]  }
0x2a: {  	p0 =	seq.s32 s5, $0x0;
	s5 =	sld [smem:$0x3FB3]  }
0x2b: {  	s6 =	sld [smem:$0x3FB4]  }
0x2c: {  	s7 =	sld [smem:$0x3FB5]  }
0x2d: {  	s3 =	simm.s32 $0x108;
	s8 =	sld [smem:$0x3FB6]  }
0x2e: {  	s3 =	simm.s32 @!p0 $0x1082;
	s9 =	sld [smem:$0x3FB7]  }
0x2f: {  	lr =	sadd.s32 s0, s3;
	s0 =	sld [smem:$0x3FAE]  }
0x30: {  	s3 =	sld [smem:$0x3FB1]  }
0x31: {  	[smem:$0x3FBA] =	sst s10  }
0x32: {  	s10 =	sld [smem:$0x3FB8];
	_ =	sdelay $0x3  }
0x33: {  	p0 =	seq.s32 s10, $0x1;
	s10 =	sld [smem:$0x3FBA];
	_ =	sdelay $0x3  }
0x34: {  	[smem:$0x3FBA] =	sst s10  }
0x35: {  	s10 =	sld [smem:$0x3FB9];
	_ =	sdelay $0x3  }
0x36: {  	p1 =	seq.s32 s10, $0x1;
	s10 =	sld [smem:$0x3FBA];
	_ =	sdelay $0x3  }
0x37: {  	[smem:$0x3FBA] =	sst s10  }
0x38: {  	s10 =	sld [smem:$0x3FBB]  }
0x39: {  	_ = 	snop;
	(pc) =	sbr.ind lr, $3  }
0x3a: {  	_ = 	snop  }
0x3b: {  	_ = 	snop  }
0x3c: {  	p2 =	seq.s32 s10, $0x1;
	s10 =	sld [smem:$0x3FBA]  }
0x3d: {  	_ =	shalt  }
0x3e: {  	_ =	shalt  }
0x3f: {  	_ =	shalt  }
0x40: {  	_ =	shalt  }
0x41: {  	_ =	shalt  }
0x42: {  	_ =	shalt  }
0x43: {  	_ =	shalt  }
0x44: {  	_ =	shalt  }
0x45: {  	_ =	shalt  }
0x46: {  	_ =	shalt  }
0x47: {  	_ =	shalt  }
0x48: {  	_ =	shalt  }
0x49: {  	_ =	shalt  }
0x4a: {  	_ =	shalt  }
0x4b: {  	_ =	shalt  }
0x4c: {  	_ =	shalt  }
0x4d: {  	_ =	shalt  }
0x4e: {  	_ =	shalt  }
0x4f: {  	_ =	shalt  }
0x50: {  	_ =	shalt  }
0x51: {  	_ =	shalt  }
0x52: {  	_ =	shalt  }
0x53: {  	_ =	shalt  }
0x54: {  	_ =	shalt  }
0x55: {  	_ =	shalt  }
0x56: {  	_ =	shalt  }
0x57: {  	_ =	shalt  }
0x58: {  	_ =	shalt  }
0x59: {  	_ =	shalt  }
0x5a: {  	_ =	shalt  }
0x5b: {  	_ =	shalt  }
0x5c: {  	_ =	shalt  }
0x5d: {  	_ =	shalt  }
0x5e: {  	_ =	shalt  }
0x5f: {  	_ =	shalt  }
0x60: {  	_ =	shalt  }
0x61: {  	_ =	shalt  }
0x62: {  	_ =	shalt  }
0x63: {  	_ =	shalt  }
0x64: {  	_ =	shalt  }
0x65: {  	_ =	shalt  }
0x66: {  	_ =	shalt  }
0x67: {  	_ =	shalt  }
0x68: {  	_ =	shalt  }
0x69: {  	_ =	shalt  }
0x6a: {  	_ =	shalt  }
0x6b: {  	_ =	shalt  }
0x6c: {  	_ =	shalt  }
0x6d: {  	_ =	shalt  }
0x6e: {  	_ =	shalt  }
0x6f: {  	_ =	shalt  }
0x70: {  	_ =	shalt  }
0x71: {  	_ =	shalt  }
0x72: {  	_ =	shalt  }
0x73: {  	_ =	shalt  }
0x74: {  	_ =	shalt  }
0x75: {  	_ =	shalt  }
0x76: {  	_ =	shalt  }
0x77: {  	_ =	shalt  }
0x78: {  	_ =	shalt  }
0x79: {  	_ =	shalt  }
0x7a: {  	_ =	shalt  }
0x7b: {  	_ =	shalt  }
0x7c: {  	_ =	shalt  }
0x7d: {  	_ =	shalt  }
0x7e: {  	_ =	shalt  }
0x7f: {  	_ =	shalt  }
0x80: {  	_ =	shalt  }
0x81: {  	_ =	shalt  }
0x82: {  	_ =	shalt  }
0x83: {  	_ =	shalt  }
0x84: {  	_ =	shalt  }
0x85: {  	_ =	shalt  }
0x86: {  	_ =	shalt  }
0x87: {  	_ =	shalt  }
.Lfunc_end0:
.L_simem_size_0:
called_computation.1_lowered:
.L_overlay_start_0:
0x88: {  	s2 =	sld [smem:$0x3FD9]  }
0x89: {  	s3 =	sld [smem:$0x3FFE];
	_ =	sdelay $0x1  }
0x8a: {  	s1 =	srdreg.scid  }
0x8b: {  	s0 =	sand.u32 $0x1, s1  }
0x8c: {  	s17 =	sshll.u32 s0, $0xA;
	s2 =	sadd.s32 s3, s2  }
0x8d: {  	s2 =	sadd.s32 s2, s17  }
0x8e: {  	[smem:$0x3FC6] =	sst s2  }
0x8f: {  	_ = 	snop  }
0x90: {  	s2 =	sld [smem:$0x3FC9]  }
0x91: {  	s18 =	sld [smem:$0x3FD0];
	(tm) =	ssettm $0x1  }
0x92: {  	s4 =	sld [smem:$0x3FFB];
	_ =	sdelay $0x3  }
0x93: {  	_ =	strace s4  }
0x94: {  	s4 =	sld [smem:$0x3FFC];
	_ =	sdelay $0x3  }
0x95: {  	_ =	strace s4  }
0x96: {  	s4 =	sld [smem:$0x3FFD];
	_ =	sdelay $0x3  }
0x97: {  	_ =	strace s4  }
0x98: {  	_ =	strace $0x8FFFFFFF  }
0x99: {  	s19 =	sld [smem:$0x3FDB];
	_ =	sdelay $0x1  }
0x9a: {  	s5 =	simm.s32 $_scs_section_size  }
0x9b: {  	s6 =	simm.s32 $_size__tile_overlayer_lowered;
	s7 =	simm.s32 $_tile_overlayer_lowered  }
0x9c: {  	s22 =	simm.s32 $0x1BFF;
	s21 =	sshll.u32 s7, $0x1;
	s4 =	sadd.s32 s5, s19  }
0x9d: {  	s8 =	simm.s32 $0x0;
	s20 =	sshll.u32 s6, $0x1;
	s6 =	sadd.s32 s21, s4  }
0x9e: {  	[timem:s8], [sflag:s22] =	dma.local [hbm:s6], s20  }
0x9f: {  	_ =	swait.ge [sflag:s22], s20  }
0xa0: {  	s5 =	ssub.s32 $0x0, s20;
	[sflag:s22] =	ssyncset.done $0x0  }
0xa1: {  	[sflag:s22] =	ssyncadd.s32 s5;
	_ =	sdelay $0x1  }
0xa2: {  	s23 =	simm.s32 $0x1B8B  }
0xa3: {  	_ =	swait.ge [sflag:s23], $0x1  }
0xa4: {  	[sflag:s23] =	ssyncset.done $0x0  }
0xa5: {  	s25 =	simm.s32 $0x1B8E;
	s24 =	sld [smem:$0x3FFE];
	[sflag:s23] =	ssyncadd.s32 $0xFFFFFFFF  }
0xa6: {  	s26 =	simm.s32 $execute0_lowered;
	[smem:$0x3FD2] =	sst s25  }
0xa7: {  	s6 =	sshll.u32 s26, $0x1;
	_ =	strace $0x80000046;
	[dreg:$0x1] =	wrdreg $0xFFFFFFFF  }
0xa8: {  	s28 =	simm.s32 $_size_execute0_lowered;
	s4 =	sadd.s32 s4, s6;
	[dreg:$0x0] =	wrdreg $0x0  }
0xa9: {  	s6 =	sshll.u32 s28, $0x1;
	[dreg:$0x2] =	wrdreg s4  }
0xaa: {  	[dreg:$0x3] =	wrdreg s6  }
0xab: {  	[dreg:$0x4] =	wrdreg $0xC0  }
0xac: {  	_ =	task [dreg:s8], $0x5FFFF  }
0xad: {  	[dreg:$0x1] =	wrdreg $0xFFFFFFFF  }
0xae: {  	[dreg:$0x0] =	wrdreg $0x60  }
0xaf: {  	[dreg:$0x2] =	wrdreg s2  }
0xb0: {  	[dreg:$0x3] =	wrdreg s24  }
0xb1: {  	[dreg:$0x4] =	wrdreg s18  }
0xb2: {  	[dreg:$0x5] =	wrdreg $0x9  }
0xb3: {  	_ =	task.clear_ibuf [dreg:s8], $0x6FFFF;
	_ =	strace $0x90000046  }
0xb4: {  	s29 =	simm.s32 $0x9;
	_ =	strace $0x80000048  }
0xb5: {  	_ =	swait.ge [sflag:s29], $0x1  }
0xb6: {  	[sflag:s29] =	ssyncadd.s32 $0xFFFFFFFF  }
0xb7: {  	_ =	strace $0x90000048  }
0xb8: {  	_ =	sfence  }
0xb9: {  	s30 =	sld [smem:$0x0];
	_ =	sdelay $0x2  }
0xba: {  	s31 =	sshll.u32 s1, $0xD;
	s1 =	sshrl.u32 s1, $0x2  }
0xbb: {  	s3 =	sand.u32 $0x4000, s31;
	s1 =	sadd.s32 s1, s30  }
0xbc: {  	s0 =	sor.u32 s3, s0;
	s1 =	sshll.u32 s1, $0x11  }
0xbd: {  	s0 =	sor.u32 s1, s0  }
0xbe: {  	s0 =	sadd.s32 $0x8F2B, s0  }
0xbf: {  	[sflag:s0] =	ssyncadd.remote.s32 $0x1  }
0xc0: {  	_ =	sfence.sel $0xFFFF  }
0xc1: {  	[dreg:$0x0] =	wrdreg $0xFFFFFFFF;
	(pc) =	sbr.abs _section_cstart, $3  }
0xc2: {  	[dreg:$0x1] =	wrdreg $0xFFFFFFFF  }
0xc3: {  	_ =	task.clear_ibuf [dreg:s8], $0x2FFFF;
	_ =	strace $0x9FFFFFFF  }
0xc4: {  	(tm) =	ssettm $0x7FFFFFFF  }
0xc5: {  	_ =	shalt  }
tec
execute0_lowered:
.L_overlay_start_1:
0x0: {  	(tag) =	ssettag $0x1  }
0x1: {  	s0 =	rddreg [dreg:$0x0]  }
0x2: {  	s1 =	rddreg [dreg:$0x1];
	s3 =	srdreg.scid  }
0x3: {  	s5 =	stileid.u32;
	s2 =	rddreg [dreg:$0x2];
	s12 =	simm.s32 $0x80  }
0x4: {  	s13 =	simm.s32 $0x6400;
	s14 =	simm.s32 $0x8400;
	s16 =	simm.s32 $0xA400  }
0x5: {  	s17 =	simm.s32 $0x1;
	s18 =	simm.s32 $0xC400;
	s19 =	simm.s32 $0x2  }
0x6: {  	s20 =	simm.s32 $0xE400;
	s21 =	simm.s32 $0x3;
	s22 =	simm.s32 $0x4  }
0x7: {  	s23 =	simm.s32 $0x5;
	s24 =	simm.s32 $0x6;
	s28 =	simm.s32 $0x9  }
0x8: {  	s29 =	simm.s32 $0xA;
	s4 =	sand.u32 $0x1, s3;
	s5 =	sshll.u32 s5, $0x1  }
0x9: {  	s30 =	simm.s32 $0x0;
	s3 =	simm.s32 $0x0;
	s6 =	sor.u32 s4, s5  }
0xa: {  	[smem:$0x7FF] =	sst s3;
	s7 =	ssub.s32 $0x2, s4;
	s4 =	smul.u32 $0x6400, s6  }
.Ltmp0:
0xb: {  	s5 =	sadd.s32 $0xF42C00, s1;
	s8 =	sshrl.u32 s7, $0x1;
	(pc) =	sbr.rel .LBB2_1-.Ltmp0, $4  }
0xc: {  	_ =	strace $0x80000047;
	s9 =	smul.u32 $0x190000, s6;
	s25 =	ssub.s32 s7, s8  }
0xd: {  	s26 =	sshrl.u32 s4, $0x3;
	s7 =	sor.u32 $0x80, s4;
	s31 =	smax.u32 s25, $0x1  }
0xe: {  	s8 =	sor.u32 $0x100, s4;
	s0 =	sadd.s32 s0, s26;
	[dreg:$0x5] =	wrdreg s31  }
0xf: {  	s25 =	simm.s32 $0x7;
	s26 =	simm.s32 $0x8;
	[dreg:$0x4] =	wrdreg s0  }
.LBB2_14:
0x10: {  	_ =	swait.ge [sflag:s24], $0x2000  }
0x11: {  	[sflag:s24] =	ssyncset.done $0x0  }
0x12: {  	[sflag:s24] =	ssyncadd.s32 $0xFFFFE000  }
0x13: {  	_ =	swait.ge [sflag:s25], $0x2000  }
0x14: {  	[sflag:s25] =	ssyncset.done $0x0  }
0x15: {  	[sflag:s25] =	ssyncadd.s32 $0xFFFFE000  }
0x16: {  	_ =	swait.ge [sflag:s26], $0x2000  }
0x17: {  	[sflag:s26] =	ssyncset.done $0x0  }
0x18: {  	[sflag:s26] =	ssyncadd.s32 $0xFFFFE000  }
0x19: {  	_ =	swait.ge [sflag:s28], $0x2000  }
0x1a: {  	[sflag:s28] =	ssyncset.done $0x0  }
0x1b: {  	[sflag:s28] =	ssyncadd.s32 $0xFFFFE000  }
0x1c: {  	_ =	swait.ge [sflag:s29], $0x2000  }
0x1d: {  	s30 =	sadd.s32 $0x1, s30;
	s0 =	rddreg [dreg:$0x5]  }
0x1e: {  	p0 =	sne.s32 s30, s0  }
.Ltmp1:
0x1f: {  	_ = 	snop;
	(pc) =	sbr.rel @!p0 .LBB2_15-.Ltmp1, $3  }
0x20: {  	_ =	sdelay $0x1  }
0x21: {  	[sflag:s29] =	ssyncset.done $0x0  }
0x22: {  	[sflag:s29] =	ssyncadd.s32 $0xFFFFE000  }
.LBB2_1:
0x23: {  	s0 =	rddreg [dreg:$0x4];
	s11 =	simm.s32 $0xB  }
0x24: {  	[tilespmem:s3], [sflag:$0xB] =	stream.linear.gather [hbm4b:s0+s3], $0x6400, $0x38;
	[tilespmem:$0x10400] =	vst v63  }
0x25: {  	_ =	swait.ge [sflag:s11], $0x6400  }
0x26: {  	[sflag:s11] =	ssyncset.done $0x0  }
0x27: {  	[sflag:s11] =	ssyncadd.s32 $0xFFFF9C00  }
0x28: {  	[tilespmem:s13], [sflag:$0x1] =	stream.indirect.gather [hbm4b:s5+s12], $0x40, s3, s12, $0xb8;
	[tilespmem:$0x10400] =	vst v63  }
0x29: {  	_ = 	snop  }
0x2a: {  	[tilespmem:s14], [sflag:$0x2] =	stream.indirect.gather [hbm4b:s5+s12], $0x40, s12, s12, $0xb8;
	[tilespmem:$0x10400] =	vst v63  }
0x2b: {  	s15 =	simm.s32 $0x100;
	s31 =	simm.s32 $0x0  }
0x2c: {  	[tilespmem:s16], [sflag:$0x3] =	stream.indirect.gather [hbm4b:s5+s12], $0x40, s15, s12, $0xb8;
	[tilespmem:$0x10400] =	vst v63  }
.LBB2_2:
0x2d: {  	_ =	swait.ge [sflag:s17], $0x2000  }
0x2e: {  	[sflag:s17] =	ssyncset.done $0x0  }
0x2f: {  	s0 =	simm.s32 $0x6480;
	[sflag:s17] =	ssyncadd.s32 $0xFFFFE000  }
0x30: {  	v0 =	vld [tilespmem:s0+$0x70]  }
0x31: {  	v1 =	vld [tilespmem:s0+$0xFFFFFF90]  }
0x32: {  	v2 =	vld [tilespmem:s0+$0xFFFFFFA0]  }
0x33: {  	v3 =	vld [tilespmem:s0+$0xFFFFFFB0]  }
0x34: {  	v4 =	vld [tilespmem:s0+$0xFFFFFFC0]  }
0x35: {  	v5 =	vld [tilespmem:s0+$0xFFFFFFD0];
	v0 =	vmul.f32 $8.000000000e+00, v0  }
0x36: {  	v6 =	vld [tilespmem:s0+$0xFFFFFFE0];
	v1 =	vmul.f32 $8.000000000e+00, v1  }
0x37: {  	v7 =	vld [tilespmem:s0+$0xFFFFFFF0];
	v2 =	vmul.f32 $8.000000000e+00, v2;
	[tilespmem:s0+$0x70] =	vst v0  }
0x38: {  	[tilespmem:s0+$0xFFFFFF90] =	vst v1;
	v0 =	vmul.f32 $8.000000000e+00, v3;
	v3 =	vld [tilespmem:s0+$0x0]  }
0x39: {  	[tilespmem:s0+$0xFFFFFFA0] =	vst v2;
	v1 =	vmul.f32 $8.000000000e+00, v4;
	v4 =	vld [tilespmem:s0+$0x10]  }
0x3a: {  	v8 =	vld [tilespmem:s0+$0x20];
	v2 =	vmul.f32 $8.000000000e+00, v5;
	[tilespmem:s0+$0xFFFFFFB0] =	vst v0  }
0x3b: {  	v5 =	vmul.f32 $8.000000000e+00, v6;
	[tilespmem:s0+$0xFFFFFFC0] =	vst v1;
	v0 =	vld [tilespmem:s0+$0x30]  }
0x3c: {  	[tilespmem:s0+$0xFFFFFFD0] =	vst v2;
	v2 =	vmul.f32 $8.000000000e+00, v7;
	v1 =	vld [tilespmem:s0+$0x40]  }
0x3d: {  	[tilespmem:s0+$0xFFFFFFE0] =	vst v5;
	v6 =	vmul.f32 $8.000000000e+00, v3;
	v3 =	vld [tilespmem:s0+$0x50]  }
0x3e: {  	[tilespmem:s0+$0xFFFFFFF0] =	vst v2;
	v2 =	vld [tilespmem:s0+$0x60];
	v5 =	vmul.f32 $8.000000000e+00, v4  }
0x3f: {  	s1 =	simm.s32 $0x0;
	s6 =	simm.s32 $0x6580;
	v4 =	vld [tilespmem:s0+$0xFFFFFF80];
	[tilespmem:s0+$0x0] =	vst v6;
	v6 =	vmul.f32 $8.000000000e+00, v8  }
.LBB2_3:
0x40: {  	v7 =	vld [tilespmem:s6+$0x70];
	s1 =	sadd.s32 $0x4, s1;
	[tilespmem:s0+$0x10] =	vst v5;
	v0 =	vmul.f32 $8.000000000e+00, v0  }
0x41: {  	v5 =	vld [tilespmem:s6+$0xFFFFFF90];
	p0 =	slt.u32 s1, $0x7C;
	[tilespmem:s0+$0x20] =	vst v6;
	v1 =	vmul.f32 $8.000000000e+00, v1  }
0x42: {  	v6 =	vld [tilespmem:s6+$0xFFFFFFA0];
	[tilespmem:s0+$0x30] =	vst v0;
	v0 =	vmul.f32 $8.000000000e+00, v3  }
0x43: {  	v3 =	vld [tilespmem:s6+$0xFFFFFFB0];
	[tilespmem:s0+$0x40] =	vst v1;
	v1 =	vmul.f32 $8.000000000e+00, v2  }
0x44: {  	v2 =	vld [tilespmem:s6+$0xFFFFFFC0];
	v4 =	vmul.f32 $8.000000000e+00, v4;
	[tilespmem:s0+$0x50] =	vst v0  }
0x45: {  	v0 =	vld [tilespmem:s6+$0xFFFFFFD0];
	v7 =	vmul.f32 $8.000000000e+00, v7;
	[tilespmem:s0+$0x60] =	vst v1  }
0x46: {  	v1 =	vmul.f32 $8.000000000e+00, v5;
	v5 =	vld [tilespmem:s6+$0xFFFFFFE0];
	[tilespmem:s0+$0xFFFFFF80] =	vst v4;
	s0 =	smov.u32 s6  }
0x47: {  	v4 =	vmul.f32 $8.000000000e+00, v6;
	v6 =	vld [tilespmem:s6+$0xFFFFFFF0];
	[tilespmem:s6+$0x70] =	vst v7  }
0x48: {  	[tilespmem:s6+$0xFFFFFF90] =	vst v1;
	v1 =	vmul.f32 $8.000000000e+00, v3;
	v3 =	vld [tilespmem:s6+$0x0]  }
0x49: {  	[tilespmem:s6+$0xFFFFFFA0] =	vst v4;
	v2 =	vmul.f32 $8.000000000e+00, v2;
	v4 =	vld [tilespmem:s6+$0x10]  }
0x4a: {  	[tilespmem:s6+$0xFFFFFFB0] =	vst v1;
	v1 =	vmul.f32 $8.000000000e+00, v0;
	v7 =	vld [tilespmem:s6+$0x20]  }
.Ltmp2:
0x4b: {  	[tilespmem:s6+$0xFFFFFFC0] =	vst v2;
	v2 =	vmul.f32 $8.000000000e+00, v5;
	v0 =	vld [tilespmem:s6+$0x30];
	(pc) =	sbr.rel @p0 .LBB2_3-.Ltmp2, $4  }
0x4c: {  	[tilespmem:s6+$0xFFFFFFD0] =	vst v1;
	v5 =	vmul.f32 $8.000000000e+00, v6;
	v1 =	vld [tilespmem:s6+$0x40]  }
0x4d: {  	[tilespmem:s6+$0xFFFFFFE0] =	vst v2;
	v6 =	vmul.f32 $8.000000000e+00, v3;
	v3 =	vld [tilespmem:s6+$0x50]  }
0x4e: {  	[tilespmem:s6+$0xFFFFFFF0] =	vst v5;
	v5 =	vmul.f32 $8.000000000e+00, v4;
	v2 =	vld [tilespmem:s6+$0x60]  }
0x4f: {  	s6 =	sadd.s32 $0x100, s6;
	v4 =	vld [tilespmem:s0+$0xFFFFFF80];
	[tilespmem:s0+$0x0] =	vst v6;
	v6 =	vmul.f32 $8.000000000e+00, v7  }
0x50: {  	[tilespmem:s0+$0x10] =	vst v5;
	v0 =	vmul.f32 $8.000000000e+00, v0  }
0x51: {  	[tilespmem:s0+$0x20] =	vst v6;
	v1 =	vmul.f32 $8.000000000e+00, v1  }
0x52: {  	s15 =	smul.u32 $0x280, s31;
	[tilespmem:s0+$0x30] =	vst v0;
	v0 =	vmul.f32 $8.000000000e+00, v3  }
0x53: {  	[tilespmem:s0+$0x40] =	vst v1;
	v1 =	vmul.f32 $8.000000000e+00, v2  }
0x54: {  	s1 =	sadd.s32 s4, s15;
	v2 =	vmul.f32 $8.000000000e+00, v4;
	[tilespmem:s0+$0x50] =	vst v0  }
0x55: {  	p0 =	seq.s32 s31, $0x0;
	s1 =	sshll.u32 s1, $0x3;
	[tilespmem:s0+$0x60] =	vst v1  }
0x56: {  	s6 =	simm.s32 @!p0 $0x9;
	s10 =	sadd.s32 s2, s1;
	[tilespmem:s0+$0xFFFFFF80] =	vst v2;
	s0 =	smul.u32 $0x5, s31  }
0x57: {  	[hbm4b:s10+s3] =	stream.linear.scatter [tilespmem:s13], [sflag:$0x6], $0x2000, $0x38;
	[tilespmem:$0x10400] =	vst v63  }
0x58: {  	s1 =	sadd.s32 $0x3, s0;
	_ =	swait.ge @!p0 [sflag:s6], $0x2000  }
0x59: {  	[sflag:s6] =	ssyncset.done @!p0 $0x0;
	s10 =	sshll.u32 s1, $0x7  }
0x5a: {  	[sflag:s6] =	ssyncadd.s32 @!p0 $0xFFFFE000;
	s11 =	sand.u32 $0x3FFFFF80, s10  }
0x5b: {  	[tilespmem:s18], [sflag:$0x4] =	stream.indirect.gather [hbm4b:s5+s12], $0x40, s11, s12, $0xb8;
	[tilespmem:$0x10400] =	vst v63  }
0x5c: {  	_ =	swait.ge [sflag:s19], $0x2000  }
0x5d: {  	[sflag:s19] =	ssyncset.done $0x0  }
0x5e: {  	s6 =	simm.s32 $0x8480;
	[sflag:s19] =	ssyncadd.s32 $0xFFFFE000  }
0x5f: {  	v0 =	vld [tilespmem:s6+$0x70]  }
0x60: {  	v1 =	vld [tilespmem:s6+$0xFFFFFF90]  }
0x61: {  	v2 =	vld [tilespmem:s6+$0xFFFFFFA0]  }
0x62: {  	v3 =	vld [tilespmem:s6+$0xFFFFFFB0]  }
0x63: {  	v4 =	vld [tilespmem:s6+$0xFFFFFFC0]  }
0x64: {  	v5 =	vld [tilespmem:s6+$0xFFFFFFD0];
	v0 =	vmul.f32 $8.000000000e+00, v0  }
0x65: {  	v6 =	vld [tilespmem:s6+$0xFFFFFFE0];
	v1 =	vmul.f32 $8.000000000e+00, v1  }
0x66: {  	v7 =	vld [tilespmem:s6+$0xFFFFFFF0];
	v2 =	vmul.f32 $8.000000000e+00, v2;
	[tilespmem:s6+$0x70] =	vst v0  }
0x67: {  	[tilespmem:s6+$0xFFFFFF90] =	vst v1;
	v0 =	vmul.f32 $8.000000000e+00, v3;
	v3 =	vld [tilespmem:s6+$0x0]  }
0x68: {  	[tilespmem:s6+$0xFFFFFFA0] =	vst v2;
	v1 =	vmul.f32 $8.000000000e+00, v4;
	v4 =	vld [tilespmem:s6+$0x10]  }
0x69: {  	v8 =	vld [tilespmem:s6+$0x20];
	v2 =	vmul.f32 $8.000000000e+00, v5;
	[tilespmem:s6+$0xFFFFFFB0] =	vst v0  }
0x6a: {  	v5 =	vmul.f32 $8.000000000e+00, v6;
	[tilespmem:s6+$0xFFFFFFC0] =	vst v1;
	v0 =	vld [tilespmem:s6+$0x30]  }
0x6b: {  	v6 =	vmul.f32 $8.000000000e+00, v7;
	[tilespmem:s6+$0xFFFFFFD0] =	vst v2;
	v1 =	vld [tilespmem:s6+$0x40]  }
0x6c: {  	[tilespmem:s6+$0xFFFFFFE0] =	vst v5;
	v2 =	vld [tilespmem:s6+$0x50];
	v7 =	vmul.f32 $8.000000000e+00, v3  }
0x6d: {  	[tilespmem:s6+$0xFFFFFFF0] =	vst v6;
	v3 =	vld [tilespmem:s6+$0x60];
	v5 =	vmul.f32 $8.000000000e+00, v4  }
0x6e: {  	s10 =	simm.s32 $0x0;
	s11 =	simm.s32 $0x8580;
	v6 =	vmul.f32 $8.000000000e+00, v8;
	v4 =	vld [tilespmem:s6+$0xFFFFFF80];
	[tilespmem:s6+$0x0] =	vst v7  }
.LBB2_5:
0x6f: {  	v7 =	vld [tilespmem:s11+$0x70];
	s10 =	sadd.s32 $0x4, s10;
	[tilespmem:s6+$0x10] =	vst v5;
	v0 =	vmul.f32 $8.000000000e+00, v0  }
0x70: {  	v5 =	vld [tilespmem:s11+$0xFFFFFF90];
	p1 =	slt.u32 s10, $0x7C;
	[tilespmem:s6+$0x20] =	vst v6;
	v1 =	vmul.f32 $8.000000000e+00, v1  }
0x71: {  	v6 =	vld [tilespmem:s11+$0xFFFFFFA0];
	[tilespmem:s6+$0x30] =	vst v0;
	v0 =	vmul.f32 $8.000000000e+00, v2  }
0x72: {  	v2 =	vld [tilespmem:s11+$0xFFFFFFB0];
	[tilespmem:s6+$0x40] =	vst v1;
	v1 =	vmul.f32 $8.000000000e+00, v3  }
0x73: {  	v3 =	vld [tilespmem:s11+$0xFFFFFFC0];
	v4 =	vmul.f32 $8.000000000e+00, v4;
	[tilespmem:s6+$0x50] =	vst v0  }
0x74: {  	v0 =	vld [tilespmem:s11+$0xFFFFFFD0];
	v7 =	vmul.f32 $8.000000000e+00, v7;
	[tilespmem:s6+$0x60] =	vst v1  }
0x75: {  	v1 =	vmul.f32 $8.000000000e+00, v5;
	v5 =	vld [tilespmem:s11+$0xFFFFFFE0];
	[tilespmem:s6+$0xFFFFFF80] =	vst v4;
	s6 =	smov.u32 s11  }
0x76: {  	v4 =	vmul.f32 $8.000000000e+00, v6;
	v6 =	vld [tilespmem:s11+$0xFFFFFFF0];
	[tilespmem:s11+$0x70] =	vst v7  }
0x77: {  	[tilespmem:s11+$0xFFFFFF90] =	vst v1;
	v1 =	vmul.f32 $8.000000000e+00, v2;
	v2 =	vld [tilespmem:s11+$0x0]  }
0x78: {  	[tilespmem:s11+$0xFFFFFFA0] =	vst v4;
	v3 =	vmul.f32 $8.000000000e+00, v3;
	v4 =	vld [tilespmem:s11+$0x10]  }
0x79: {  	[tilespmem:s11+$0xFFFFFFB0] =	vst v1;
	v1 =	vmul.f32 $8.000000000e+00, v0;
	v7 =	vld [tilespmem:s11+$0x20]  }
.Ltmp3:
0x7a: {  	[tilespmem:s11+$0xFFFFFFC0] =	vst v3;
	v3 =	vmul.f32 $8.000000000e+00, v5;
	v0 =	vld [tilespmem:s11+$0x30];
	(pc) =	sbr.rel @p1 .LBB2_5-.Ltmp3, $4  }
0x7b: {  	[tilespmem:s11+$0xFFFFFFD0] =	vst v1;
	v5 =	vmul.f32 $8.000000000e+00, v6;
	v1 =	vld [tilespmem:s11+$0x40]  }
0x7c: {  	[tilespmem:s11+$0xFFFFFFE0] =	vst v3;
	v6 =	vmul.f32 $8.000000000e+00, v2;
	v2 =	vld [tilespmem:s11+$0x50]  }
0x7d: {  	[tilespmem:s11+$0xFFFFFFF0] =	vst v5;
	v5 =	vmul.f32 $8.000000000e+00, v4;
	v3 =	vld [tilespmem:s11+$0x60]  }
0x7e: {  	s11 =	sadd.s32 $0x100, s11;
	v4 =	vld [tilespmem:s6+$0xFFFFFF80];
	[tilespmem:s6+$0x0] =	vst v6;
	v6 =	vmul.f32 $8.000000000e+00, v7  }
0x7f: {  	[tilespmem:s6+$0x10] =	vst v5;
	v0 =	vmul.f32 $8.000000000e+00, v0  }
0x80: {  	[tilespmem:s6+$0x20] =	vst v6;
	v1 =	vmul.f32 $8.000000000e+00, v1  }
0x81: {  	[tilespmem:s6+$0x30] =	vst v0;
	v0 =	vmul.f32 $8.000000000e+00, v2  }
0x82: {  	s10 =	sadd.s32 s15, s7;
	[tilespmem:s6+$0x40] =	vst v1;
	v1 =	vmul.f32 $8.000000000e+00, v3  }
0x83: {  	s10 =	sshll.u32 s10, $0x3;
	v2 =	vmul.f32 $8.000000000e+00, v4;
	[tilespmem:s6+$0x50] =	vst v0  }
0x84: {  	s10 =	sand.u32 $0x1FFFFC00, s10;
	[tilespmem:s6+$0x60] =	vst v1  }
0x85: {  	s10 =	sadd.s32 s2, s10;
	[tilespmem:s6+$0xFFFFFF80] =	vst v2;
	s6 =	simm.s32 @!p0 $0xA  }
0x86: {  	[hbm4b:s10+s3] =	stream.linear.scatter [tilespmem:s14], [sflag:$0x7], $0x2000, $0x38;
	[tilespmem:$0x10400] =	vst v63  }
0x87: {  	s0 =	sadd.s32 $0x4, s0;
	_ =	swait.ge @!p0 [sflag:s6], $0x2000  }
0x88: {  	s11 =	sshll.u32 s0, $0x7;
	[sflag:s6] =	ssyncset.done @!p0 $0x0  }
0x89: {  	s11 =	sand.u32 $0x3FFFFF80, s11;
	[sflag:s6] =	ssyncadd.s32 @!p0 $0xFFFFE000  }
0x8a: {  	[tilespmem:s20], [sflag:$0x5] =	stream.indirect.gather [hbm4b:s5+s12], $0x40, s11, s12, $0xb8;
	[tilespmem:$0x10400] =	vst v63  }
0x8b: {  	_ =	swait.ge [sflag:s21], $0x2000  }
0x8c: {  	[sflag:s21] =	ssyncset.done $0x0  }
0x8d: {  	s6 =	simm.s32 $0xA480;
	[sflag:s21] =	ssyncadd.s32 $0xFFFFE000  }
0x8e: {  	v0 =	vld [tilespmem:s6+$0x70]  }
0x8f: {  	v1 =	vld [tilespmem:s6+$0xFFFFFF90]  }
0x90: {  	v2 =	vld [tilespmem:s6+$0xFFFFFFA0]  }
0x91: {  	v3 =	vld [tilespmem:s6+$0xFFFFFFB0]  }
0x92: {  	v4 =	vld [tilespmem:s6+$0xFFFFFFC0]  }
0x93: {  	v5 =	vld [tilespmem:s6+$0xFFFFFFD0];
	v0 =	vmul.f32 $8.000000000e+00, v0  }
0x94: {  	v6 =	vld [tilespmem:s6+$0xFFFFFFE0];
	v1 =	vmul.f32 $8.000000000e+00, v1  }
0x95: {  	v7 =	vld [tilespmem:s6+$0xFFFFFFF0];
	v2 =	vmul.f32 $8.000000000e+00, v2;
	[tilespmem:s6+$0x70] =	vst v0  }
0x96: {  	[tilespmem:s6+$0xFFFFFF90] =	vst v1;
	v0 =	vmul.f32 $8.000000000e+00, v3;
	v3 =	vld [tilespmem:s6+$0x0]  }
0x97: {  	[tilespmem:s6+$0xFFFFFFA0] =	vst v2;
	v1 =	vmul.f32 $8.000000000e+00, v4;
	v4 =	vld [tilespmem:s6+$0x10]  }
0x98: {  	v8 =	vld [tilespmem:s6+$0x20];
	v2 =	vmul.f32 $8.000000000e+00, v5;
	[tilespmem:s6+$0xFFFFFFB0] =	vst v0  }
0x99: {  	v5 =	vmul.f32 $8.000000000e+00, v6;
	[tilespmem:s6+$0xFFFFFFC0] =	vst v1;
	v0 =	vld [tilespmem:s6+$0x30]  }
0x9a: {  	v6 =	vmul.f32 $8.000000000e+00, v7;
	[tilespmem:s6+$0xFFFFFFD0] =	vst v2;
	v1 =	vld [tilespmem:s6+$0x40]  }
0x9b: {  	[tilespmem:s6+$0xFFFFFFE0] =	vst v5;
	v2 =	vld [tilespmem:s6+$0x50];
	v7 =	vmul.f32 $8.000000000e+00, v3  }
0x9c: {  	[tilespmem:s6+$0xFFFFFFF0] =	vst v6;
	v3 =	vld [tilespmem:s6+$0x60];
	v5 =	vmul.f32 $8.000000000e+00, v4  }
0x9d: {  	s10 =	simm.s32 $0x0;
	s11 =	simm.s32 $0xA580;
	v6 =	vmul.f32 $8.000000000e+00, v8;
	v4 =	vld [tilespmem:s6+$0xFFFFFF80];
	[tilespmem:s6+$0x0] =	vst v7  }
.LBB2_7:
0x9e: {  	v7 =	vld [tilespmem:s11+$0x70];
	s10 =	sadd.s32 $0x4, s10;
	[tilespmem:s6+$0x10] =	vst v5;
	v0 =	vmul.f32 $8.000000000e+00, v0  }
0x9f: {  	v5 =	vld [tilespmem:s11+$0xFFFFFF90];
	p0 =	slt.u32 s10, $0x7C;
	[tilespmem:s6+$0x20] =	vst v6;
	v1 =	vmul.f32 $8.000000000e+00, v1  }
0xa0: {  	v6 =	vld [tilespmem:s11+$0xFFFFFFA0];
	[tilespmem:s6+$0x30] =	vst v0;
	v0 =	vmul.f32 $8.000000000e+00, v2  }
0xa1: {  	v2 =	vld [tilespmem:s11+$0xFFFFFFB0];
	[tilespmem:s6+$0x40] =	vst v1;
	v1 =	vmul.f32 $8.000000000e+00, v3  }
0xa2: {  	v3 =	vld [tilespmem:s11+$0xFFFFFFC0];
	v4 =	vmul.f32 $8.000000000e+00, v4;
	[tilespmem:s6+$0x50] =	vst v0  }
0xa3: {  	v0 =	vld [tilespmem:s11+$0xFFFFFFD0];
	v7 =	vmul.f32 $8.000000000e+00, v7;
	[tilespmem:s6+$0x60] =	vst v1  }
0xa4: {  	v1 =	vmul.f32 $8.000000000e+00, v5;
	v5 =	vld [tilespmem:s11+$0xFFFFFFE0];
	[tilespmem:s6+$0xFFFFFF80] =	vst v4;
	s6 =	smov.u32 s11  }
0xa5: {  	v4 =	vmul.f32 $8.000000000e+00, v6;
	v6 =	vld [tilespmem:s11+$0xFFFFFFF0];
	[tilespmem:s11+$0x70] =	vst v7  }
0xa6: {  	[tilespmem:s11+$0xFFFFFF90] =	vst v1;
	v1 =	vmul.f32 $8.000000000e+00, v2;
	v2 =	vld [tilespmem:s11+$0x0]  }
0xa7: {  	[tilespmem:s11+$0xFFFFFFA0] =	vst v4;
	v3 =	vmul.f32 $8.000000000e+00, v3;
	v4 =	vld [tilespmem:s11+$0x10]  }
0xa8: {  	[tilespmem:s11+$0xFFFFFFB0] =	vst v1;
	v1 =	vmul.f32 $8.000000000e+00, v0;
	v7 =	vld [tilespmem:s11+$0x20]  }
.Ltmp4:
0xa9: {  	[tilespmem:s11+$0xFFFFFFC0] =	vst v3;
	v3 =	vmul.f32 $8.000000000e+00, v5;
	v0 =	vld [tilespmem:s11+$0x30];
	(pc) =	sbr.rel @p0 .LBB2_7-.Ltmp4, $4  }
0xaa: {  	[tilespmem:s11+$0xFFFFFFD0] =	vst v1;
	v5 =	vmul.f32 $8.000000000e+00, v6;
	v1 =	vld [tilespmem:s11+$0x40]  }
0xab: {  	[tilespmem:s11+$0xFFFFFFE0] =	vst v3;
	v6 =	vmul.f32 $8.000000000e+00, v2;
	v2 =	vld [tilespmem:s11+$0x50]  }
0xac: {  	[tilespmem:s11+$0xFFFFFFF0] =	vst v5;
	v5 =	vmul.f32 $8.000000000e+00, v4;
	v3 =	vld [tilespmem:s11+$0x60]  }
0xad: {  	s11 =	sadd.s32 $0x100, s11;
	v4 =	vld [tilespmem:s6+$0xFFFFFF80];
	[tilespmem:s6+$0x0] =	vst v6;
	v6 =	vmul.f32 $8.000000000e+00, v7  }
0xae: {  	[tilespmem:s6+$0x10] =	vst v5;
	v0 =	vmul.f32 $8.000000000e+00, v0  }
0xaf: {  	[tilespmem:s6+$0x20] =	vst v6;
	v1 =	vmul.f32 $8.000000000e+00, v1  }
0xb0: {  	[tilespmem:s6+$0x30] =	vst v0;
	v0 =	vmul.f32 $8.000000000e+00, v2  }
0xb1: {  	s10 =	sadd.s32 s15, s8;
	[tilespmem:s6+$0x40] =	vst v1;
	v1 =	vmul.f32 $8.000000000e+00, v3  }
0xb2: {  	s10 =	sshll.u32 s10, $0x3;
	v2 =	vmul.f32 $8.000000000e+00, v4;
	[tilespmem:s6+$0x50] =	vst v0  }
0xb3: {  	p0 =	seq.s32 s31, $0x27;
	s10 =	sand.u32 $0x1FFFFC00, s10;
	[tilespmem:s6+$0x60] =	vst v1  }
0xb4: {  	s15 =	sadd.s32 s2, s10;
	s10 =	smul.u32 @!p0 $0xA00, s31;
	[tilespmem:s6+$0xFFFFFF80] =	vst v2;
	s6 =	simm.s32 @!p0 $0x6  }
0xb5: {  	[hbm4b:s15+s3] =	stream.linear.scatter [tilespmem:s16], [sflag:$0x8], $0x2000, $0x38;
	[tilespmem:$0x10400] =	vst v63  }
0xb6: {  	_ =	swait.ge @!p0 [sflag:s6], $0x2000  }
0xb7: {  	s11 =	simm.s32 @!p0 $0x6400;
	s15 =	sshra.s32 @!p0 s10, $0x2;
	[sflag:s6] =	ssyncset.done @!p0 $0x0  }
0xb8: {  	s10 =	simm.s32 @!p0 $0x80;
	[sflag:s6] =	ssyncadd.s32 @!p0 $0xFFFFE000;
	s6 =	sadd.s32 @!p0 $0x280, s15  }
0xb9: {  	[tilespmem:s11], [sflag:$0x1] =	stream.indirect.gather @!p0 [hbm4b:s5+s10], $0x40, s6, s10, $0xb8;
	[tilespmem:$0x10400] =	vst v63  }
0xba: {  	_ =	swait.ge [sflag:s22], $0x2000  }
0xbb: {  	[sflag:s22] =	ssyncset.done $0x0  }
0xbc: {  	s6 =	simm.s32 $0xC480;
	[sflag:s22] =	ssyncadd.s32 $0xFFFFE000  }
0xbd: {  	v0 =	vld [tilespmem:s6+$0x70]  }
0xbe: {  	v1 =	vld [tilespmem:s6+$0xFFFFFF90]  }
0xbf: {  	v2 =	vld [tilespmem:s6+$0xFFFFFFA0]  }
0xc0: {  	v3 =	vld [tilespmem:s6+$0xFFFFFFB0]  }
0xc1: {  	v4 =	vld [tilespmem:s6+$0xFFFFFFC0]  }
0xc2: {  	v5 =	vld [tilespmem:s6+$0xFFFFFFD0];
	v0 =	vmul.f32 $8.000000000e+00, v0  }
0xc3: {  	v6 =	vld [tilespmem:s6+$0xFFFFFFE0];
	v1 =	vmul.f32 $8.000000000e+00, v1  }
0xc4: {  	v7 =	vld [tilespmem:s6+$0xFFFFFFF0];
	v2 =	vmul.f32 $8.000000000e+00, v2;
	[tilespmem:s6+$0x70] =	vst v0  }
0xc5: {  	[tilespmem:s6+$0xFFFFFF90] =	vst v1;
	v0 =	vmul.f32 $8.000000000e+00, v3;
	v3 =	vld [tilespmem:s6+$0x0]  }
0xc6: {  	[tilespmem:s6+$0xFFFFFFA0] =	vst v2;
	v1 =	vmul.f32 $8.000000000e+00, v4;
	v4 =	vld [tilespmem:s6+$0x10]  }
0xc7: {  	v8 =	vld [tilespmem:s6+$0x20];
	v2 =	vmul.f32 $8.000000000e+00, v5;
	[tilespmem:s6+$0xFFFFFFB0] =	vst v0  }
0xc8: {  	v5 =	vmul.f32 $8.000000000e+00, v6;
	[tilespmem:s6+$0xFFFFFFC0] =	vst v1;
	v0 =	vld [tilespmem:s6+$0x30]  }
0xc9: {  	v6 =	vmul.f32 $8.000000000e+00, v7;
	[tilespmem:s6+$0xFFFFFFD0] =	vst v2;
	v1 =	vld [tilespmem:s6+$0x40]  }
0xca: {  	[tilespmem:s6+$0xFFFFFFE0] =	vst v5;
	v2 =	vld [tilespmem:s6+$0x50];
	v7 =	vmul.f32 $8.000000000e+00, v3  }
0xcb: {  	[tilespmem:s6+$0xFFFFFFF0] =	vst v6;
	v3 =	vld [tilespmem:s6+$0x60];
	v5 =	vmul.f32 $8.000000000e+00, v4  }
0xcc: {  	s10 =	simm.s32 $0x0;
	s11 =	simm.s32 $0xC580;
	v6 =	vmul.f32 $8.000000000e+00, v8;
	v4 =	vld [tilespmem:s6+$0xFFFFFF80];
	[tilespmem:s6+$0x0] =	vst v7  }
.LBB2_9:
0xcd: {  	v7 =	vld [tilespmem:s11+$0x70];
	s10 =	sadd.s32 $0x4, s10;
	[tilespmem:s6+$0x10] =	vst v5;
	v0 =	vmul.f32 $8.000000000e+00, v0  }
0xce: {  	v5 =	vld [tilespmem:s11+$0xFFFFFF90];
	p1 =	slt.u32 s10, $0x7C;
	[tilespmem:s6+$0x20] =	vst v6;
	v1 =	vmul.f32 $8.000000000e+00, v1  }
0xcf: {  	v6 =	vld [tilespmem:s11+$0xFFFFFFA0];
	[tilespmem:s6+$0x30] =	vst v0;
	v0 =	vmul.f32 $8.000000000e+00, v2  }
0xd0: {  	v2 =	vld [tilespmem:s11+$0xFFFFFFB0];
	[tilespmem:s6+$0x40] =	vst v1;
	v1 =	vmul.f32 $8.000000000e+00, v3  }
0xd1: {  	v3 =	vld [tilespmem:s11+$0xFFFFFFC0];
	v4 =	vmul.f32 $8.000000000e+00, v4;
	[tilespmem:s6+$0x50] =	vst v0  }
0xd2: {  	v0 =	vld [tilespmem:s11+$0xFFFFFFD0];
	v7 =	vmul.f32 $8.000000000e+00, v7;
	[tilespmem:s6+$0x60] =	vst v1  }
0xd3: {  	v1 =	vmul.f32 $8.000000000e+00, v5;
	v5 =	vld [tilespmem:s11+$0xFFFFFFE0];
	[tilespmem:s6+$0xFFFFFF80] =	vst v4;
	s6 =	smov.u32 s11  }
0xd4: {  	v4 =	vmul.f32 $8.000000000e+00, v6;
	v6 =	vld [tilespmem:s11+$0xFFFFFFF0];
	[tilespmem:s11+$0x70] =	vst v7  }
0xd5: {  	[tilespmem:s11+$0xFFFFFF90] =	vst v1;
	v1 =	vmul.f32 $8.000000000e+00, v2;
	v2 =	vld [tilespmem:s11+$0x0]  }
0xd6: {  	[tilespmem:s11+$0xFFFFFFA0] =	vst v4;
	v3 =	vmul.f32 $8.000000000e+00, v3;
	v4 =	vld [tilespmem:s11+$0x10]  }
0xd7: {  	[tilespmem:s11+$0xFFFFFFB0] =	vst v1;
	v1 =	vmul.f32 $8.000000000e+00, v0;
	v7 =	vld [tilespmem:s11+$0x20]  }
.Ltmp5:
0xd8: {  	[tilespmem:s11+$0xFFFFFFC0] =	vst v3;
	v3 =	vmul.f32 $8.000000000e+00, v5;
	v0 =	vld [tilespmem:s11+$0x30];
	(pc) =	sbr.rel @p1 .LBB2_9-.Ltmp5, $4  }
0xd9: {  	[tilespmem:s11+$0xFFFFFFD0] =	vst v1;
	v5 =	vmul.f32 $8.000000000e+00, v6;
	v1 =	vld [tilespmem:s11+$0x40]  }
0xda: {  	[tilespmem:s11+$0xFFFFFFE0] =	vst v3;
	v6 =	vmul.f32 $8.000000000e+00, v2;
	v2 =	vld [tilespmem:s11+$0x50]  }
0xdb: {  	[tilespmem:s11+$0xFFFFFFF0] =	vst v5;
	v5 =	vmul.f32 $8.000000000e+00, v4;
	v3 =	vld [tilespmem:s11+$0x60]  }
0xdc: {  	s11 =	sadd.s32 $0x100, s11;
	v4 =	vld [tilespmem:s6+$0xFFFFFF80];
	[tilespmem:s6+$0x0] =	vst v6;
	v6 =	vmul.f32 $8.000000000e+00, v7  }
0xdd: {  	[tilespmem:s6+$0x10] =	vst v5;
	v0 =	vmul.f32 $8.000000000e+00, v0  }
0xde: {  	[tilespmem:s6+$0x20] =	vst v6;
	v1 =	vmul.f32 $8.000000000e+00, v1  }
0xdf: {  	[tilespmem:s6+$0x30] =	vst v0;
	v0 =	vmul.f32 $8.000000000e+00, v2  }
0xe0: {  	s1 =	sshll.u32 s1, $0xD;
	[tilespmem:s6+$0x40] =	vst v1;
	v1 =	vmul.f32 $8.000000000e+00, v3  }
0xe1: {  	s1 =	sadd.s32 s9, s1;
	v2 =	vmul.f32 $8.000000000e+00, v4;
	[tilespmem:s6+$0x50] =	vst v0  }
0xe2: {  	s1 =	sshrl.u32 s1, $0x3;
	[tilespmem:s6+$0x60] =	vst v1  }
0xe3: {  	s1 =	sadd.s32 s2, s1;
	[tilespmem:s6+$0xFFFFFF80] =	vst v2  }
0xe4: {  	[hbm4b:s1+s3] =	stream.linear.scatter [tilespmem:s18], [sflag:$0x9], $0x2000, $0x38;
	[tilespmem:$0x10400] =	vst v63  }
0xe5: {  	s1 =	simm.s32 @!p0 $0x7  }
0xe6: {  	_ =	swait.ge @!p0 [sflag:s1], $0x2000  }
0xe7: {  	s10 =	simm.s32 @!p0 $0x8400;
	[sflag:s1] =	ssyncset.done @!p0 $0x0  }
0xe8: {  	s6 =	simm.s32 @!p0 $0x80;
	[sflag:s1] =	ssyncadd.s32 @!p0 $0xFFFFE000;
	s1 =	sadd.s32 @!p0 $0x300, s15  }
0xe9: {  	[tilespmem:s10], [sflag:$0x2] =	stream.indirect.gather @!p0 [hbm4b:s5+s6], $0x40, s1, s6, $0xb8;
	[tilespmem:$0x10400] =	vst v63  }
0xea: {  	_ =	swait.ge [sflag:s23], $0x2000  }
0xeb: {  	[sflag:s23] =	ssyncset.done $0x0  }
0xec: {  	s1 =	simm.s32 $0xE480;
	[sflag:s23] =	ssyncadd.s32 $0xFFFFE000  }
0xed: {  	v0 =	vld [tilespmem:s1+$0x70]  }
0xee: {  	v1 =	vld [tilespmem:s1+$0xFFFFFF90]  }
0xef: {  	v2 =	vld [tilespmem:s1+$0xFFFFFFA0]  }
0xf0: {  	v3 =	vld [tilespmem:s1+$0xFFFFFFB0]  }
0xf1: {  	v4 =	vld [tilespmem:s1+$0xFFFFFFC0]  }
0xf2: {  	v5 =	vld [tilespmem:s1+$0xFFFFFFD0];
	v0 =	vmul.f32 $8.000000000e+00, v0  }
0xf3: {  	v6 =	vld [tilespmem:s1+$0xFFFFFFE0];
	v1 =	vmul.f32 $8.000000000e+00, v1  }
0xf4: {  	v7 =	vld [tilespmem:s1+$0xFFFFFFF0];
	v2 =	vmul.f32 $8.000000000e+00, v2;
	[tilespmem:s1+$0x70] =	vst v0  }
0xf5: {  	[tilespmem:s1+$0xFFFFFF90] =	vst v1;
	v0 =	vmul.f32 $8.000000000e+00, v3;
	v3 =	vld [tilespmem:s1+$0x0]  }
0xf6: {  	[tilespmem:s1+$0xFFFFFFA0] =	vst v2;
	v1 =	vmul.f32 $8.000000000e+00, v4;
	v4 =	vld [tilespmem:s1+$0x10]  }
0xf7: {  	v8 =	vld [tilespmem:s1+$0x20];
	v2 =	vmul.f32 $8.000000000e+00, v5;
	[tilespmem:s1+$0xFFFFFFB0] =	vst v0  }
0xf8: {  	v5 =	vmul.f32 $8.000000000e+00, v6;
	[tilespmem:s1+$0xFFFFFFC0] =	vst v1;
	v0 =	vld [tilespmem:s1+$0x30]  }
0xf9: {  	v6 =	vmul.f32 $8.000000000e+00, v7;
	[tilespmem:s1+$0xFFFFFFD0] =	vst v2;
	v1 =	vld [tilespmem:s1+$0x40]  }
0xfa: {  	[tilespmem:s1+$0xFFFFFFE0] =	vst v5;
	v2 =	vld [tilespmem:s1+$0x50];
	v7 =	vmul.f32 $8.000000000e+00, v3  }
0xfb: {  	[tilespmem:s1+$0xFFFFFFF0] =	vst v6;
	v3 =	vld [tilespmem:s1+$0x60];
	v5 =	vmul.f32 $8.000000000e+00, v4  }
0xfc: {  	s6 =	simm.s32 $0x0;
	s10 =	simm.s32 $0xE580;
	v6 =	vmul.f32 $8.000000000e+00, v8;
	v4 =	vld [tilespmem:s1+$0xFFFFFF80];
	[tilespmem:s1+$0x0] =	vst v7  }
.LBB2_11:
0xfd: {  	v7 =	vld [tilespmem:s10+$0x70];
	s6 =	sadd.s32 $0x4, s6;
	[tilespmem:s1+$0x10] =	vst v5;
	v0 =	vmul.f32 $8.000000000e+00, v0  }
0xfe: {  	v5 =	vld [tilespmem:s10+$0xFFFFFF90];
	p1 =	slt.u32 s6, $0x7C;
	[tilespmem:s1+$0x20] =	vst v6;
	v1 =	vmul.f32 $8.000000000e+00, v1  }
0xff: {  	v6 =	vld [tilespmem:s10+$0xFFFFFFA0];
	[tilespmem:s1+$0x30] =	vst v0;
	v0 =	vmul.f32 $8.000000000e+00, v2  }
0x100: {  	v2 =	vld [tilespmem:s10+$0xFFFFFFB0];
	[tilespmem:s1+$0x40] =	vst v1;
	v1 =	vmul.f32 $8.000000000e+00, v3  }
0x101: {  	v3 =	vld [tilespmem:s10+$0xFFFFFFC0];
	v4 =	vmul.f32 $8.000000000e+00, v4;
	[tilespmem:s1+$0x50] =	vst v0  }
0x102: {  	v0 =	vld [tilespmem:s10+$0xFFFFFFD0];
	v7 =	vmul.f32 $8.000000000e+00, v7;
	[tilespmem:s1+$0x60] =	vst v1  }
0x103: {  	v1 =	vmul.f32 $8.000000000e+00, v5;
	v5 =	vld [tilespmem:s10+$0xFFFFFFE0];
	[tilespmem:s1+$0xFFFFFF80] =	vst v4;
	s1 =	smov.u32 s10  }
0x104: {  	v4 =	vmul.f32 $8.000000000e+00, v6;
	v6 =	vld [tilespmem:s10+$0xFFFFFFF0];
	[tilespmem:s10+$0x70] =	vst v7  }
0x105: {  	[tilespmem:s10+$0xFFFFFF90] =	vst v1;
	v1 =	vmul.f32 $8.000000000e+00, v2;
	v2 =	vld [tilespmem:s10+$0x0]  }
0x106: {  	[tilespmem:s10+$0xFFFFFFA0] =	vst v4;
	v3 =	vmul.f32 $8.000000000e+00, v3;
	v4 =	vld [tilespmem:s10+$0x10]  }
0x107: {  	[tilespmem:s10+$0xFFFFFFB0] =	vst v1;
	v1 =	vmul.f32 $8.000000000e+00, v0;
	v7 =	vld [tilespmem:s10+$0x20]  }
.Ltmp6:
0x108: {  	[tilespmem:s10+$0xFFFFFFC0] =	vst v3;
	v3 =	vmul.f32 $8.000000000e+00, v5;
	v0 =	vld [tilespmem:s10+$0x30];
	(pc) =	sbr.rel @p1 .LBB2_11-.Ltmp6, $4  }
0x109: {  	[tilespmem:s10+$0xFFFFFFD0] =	vst v1;
	v5 =	vmul.f32 $8.000000000e+00, v6;
	v1 =	vld [tilespmem:s10+$0x40]  }
0x10a: {  	[tilespmem:s10+$0xFFFFFFE0] =	vst v3;
	v6 =	vmul.f32 $8.000000000e+00, v2;
	v2 =	vld [tilespmem:s10+$0x50]  }
0x10b: {  	[tilespmem:s10+$0xFFFFFFF0] =	vst v5;
	v5 =	vmul.f32 $8.000000000e+00, v4;
	v3 =	vld [tilespmem:s10+$0x60]  }
0x10c: {  	s10 =	sadd.s32 $0x100, s10;
	v4 =	vld [tilespmem:s1+$0xFFFFFF80];
	[tilespmem:s1+$0x0] =	vst v6;
	v6 =	vmul.f32 $8.000000000e+00, v7  }
0x10d: {  	[tilespmem:s1+$0x10] =	vst v5;
	v0 =	vmul.f32 $8.000000000e+00, v0  }
0x10e: {  	[tilespmem:s1+$0x20] =	vst v6;
	v1 =	vmul.f32 $8.000000000e+00, v1  }
0x10f: {  	[tilespmem:s1+$0x30] =	vst v0;
	v61 =	vmul.f32 $8.000000000e+00, v2  }
.Ltmp7:
0x110: {  	s0 =	sshll.u32 s0, $0xD;
	[tilespmem:s1+$0x40] =	vst v1;
	v62 =	vmul.f32 $8.000000000e+00, v3;
	(pc) =	sbr.rel @p0 .LBB2_14-.Ltmp7, $4  }
0x111: {  	s0 =	sadd.s32 s9, s0;
	v63 =	vmul.f32 $8.000000000e+00, v4;
	[tilespmem:s1+$0x50] =	vst v61  }
0x112: {  	s0 =	sshrl.u32 s0, $0x3;
	[tilespmem:s1+$0x60] =	vst v62  }
0x113: {  	s0 =	sadd.s32 s2, s0;
	[tilespmem:s1+$0xFFFFFF80] =	vst v63  }
0x114: {  	[hbm4b:s0+s3] =	stream.linear.scatter [tilespmem:s20], [sflag:$0xA], $0x2000, $0x38;
	[tilespmem:$0x10400] =	vst v63  }
0x115: {  	s0 =	smul.u32 $0xA00, s31  }
.Ltmp8:
0x116: {  	_ = 	snop;
	(pc) =	sbr.rel .LBB2_2-.Ltmp8, $4  }
0x117: {  	_ =	swait.ge [sflag:s26], $0x2000  }
0x118: {  	[sflag:s26] =	ssyncset.done $0x0;
	s0 =	sshra.s32 s0, $0x2  }
0x119: {  	s31 =	sadd.s32 $0x1, s31;
	[sflag:s26] =	ssyncadd.s32 $0xFFFFE000;
	s0 =	sadd.s32 $0x380, s0  }
0x11a: {  	[tilespmem:s16], [sflag:$0x3] =	stream.indirect.gather [hbm4b:s5+s12], $0x40, s0, s12, $0xb8;
	[tilespmem:$0x10400] =	vst v63  }
.LBB2_15:
0x11b: {  	_ =	sfence.sel $0x180000  }
0x11c: {  	[bflag:$0x0] =	sbarrier.arrive $0xFFFF  }
0x11d: {  	_ =	strace $0x90000047  }
0x11e: {  	s0 =	stileid.u32;
	[bflag:$0x2] =	sbarrier.arrive $0xFFFF  }
0x11f: {  	p0 =	sne.s32 s0, $0x0;
	s0 =	rddreg [dreg:$0x3]  }
0x120: {  	s0 =	sadd.s32 @!p0 $0x100000, s0  }
0x121: {  	[sflag:s0] =	ssyncadd.tile.s32 @!p0 $0x1;
	_ =	shalt  }
.Lfunc_end2:
_tile_overlayer_lowered:
.L_overlay_start_2:
0x122: {  	(tag) =	ssettag $0x2  }
0x123: {  	s0 =	rddreg [dreg:$0x0];
	s2 =	stileid.u32  }
0x124: {  	s1 =	rddreg [dreg:$0x1];
	p0 =	sne.s32 s2, $0x0  }
0x125: {  	s3 =	rddreg [dreg:$0x2];
	[bflag:$0x3] =	sbarrier.arrive $0xFFFF;
	s2 =	simm.s32 @!p0 $0x1C0B  }
0x126: {  	[timem:s3], [sflag:s2] =	dma.local @!p0 [hbm:s0], s1  }
0x127: {  	s0 =	simm.s32 @!p0 $0xB  }
0x128: {  	_ =	swait.ge @!p0 [sflag:s0], s1  }
0x129: {  	s1 =	ssub.s32 @!p0 $0x0, s1;
	[sflag:s0] =	ssyncset.done @!p0 $0x0  }
0x12a: {  	[sflag:s0] =	ssyncadd.s32 @!p0 s1  }
0x12b: {  	[bflag:$0x3] =	sbarrier.arrive $0xFFFF  }
0x12c: {  	_ =	shalt  }

// kernel: sparse-core-data-format-call.cloned.1.call-start
scs
called_computation_lowered:
.L_overlay_start_0:
0x0: {  	s2 =	sld [smem:$0x3FD9]  }
0x1: {  	s3 =	sld [smem:$0x3FFE];
	_ =	sdelay $0x1  }
0x2: {  	s1 =	srdreg.scid  }
0x3: {  	s0 =	sand.u32 $0x1, s1  }
0x4: {  	s18 =	sshll.u32 s0, $0xA;
	s2 =	sadd.s32 s3, s2  }
0x5: {  	s2 =	sadd.s32 s2, s18  }
0x6: {  	[smem:$0x3FC6] =	sst s2  }
0x7: {  	_ = 	snop  }
0x8: {  	s2 =	sld [smem:$0x3FD0];
	(tm) =	ssettm $0x1  }
0x9: {  	s19 =	sld [smem:$0x3FFB];
	_ =	sdelay $0x3  }
0xa: {  	_ =	strace s19  }
0xb: {  	s3 =	sld [smem:$0x3FFC];
	_ =	sdelay $0x3  }
0xc: {  	_ =	strace s3  }
0xd: {  	s3 =	sld [smem:$0x3FFD];
	_ =	sdelay $0x3  }
0xe: {  	_ =	strace s3  }
0xf: {  	_ =	strace $0x8FFFFFFF  }
0x10: {  	s20 =	sld [smem:$0x3FDB];
	_ =	sdelay $0x1  }
0x11: {  	s4 =	simm.s32 $_scs_section_size  }
0x12: {  	s5 =	simm.s32 $_size__tile_overlayer_lowered;
	s6 =	simm.s32 $_tile_overlayer_lowered  }
0x13: {  	s23 =	simm.s32 $0x1BFF;
	s22 =	sshll.u32 s6, $0x1;
	s3 =	sadd.s32 s4, s20  }
0x14: {  	s7 =	simm.s32 $0x0;
	s21 =	sshll.u32 s5, $0x1;
	s5 =	sadd.s32 s22, s3  }
0x15: {  	[timem:s7], [sflag:s23] =	dma.local [hbm:s5], s21  }
0x16: {  	_ =	swait.ge [sflag:s23], s21  }
0x17: {  	s4 =	ssub.s32 $0x0, s21;
	[sflag:s23] =	ssyncset.done $0x0  }
0x18: {  	[sflag:s23] =	ssyncadd.s32 s4;
	_ =	sdelay $0x1  }
0x19: {  	s24 =	simm.s32 $0x1B8B  }
0x1a: {  	_ =	swait.ge [sflag:s24], $0x1  }
0x1b: {  	[sflag:s24] =	ssyncset.done $0x0  }
0x1c: {  	s26 =	simm.s32 $0x1B8E;
	s25 =	sld [smem:$0x3FFE];
	[sflag:s24] =	ssyncadd.s32 $0xFFFFFFFF  }
0x1d: {  	s27 =	simm.s32 $execute0_lowered;
	[smem:$0x3FD2] =	sst s26  }
0x1e: {  	s5 =	sshll.u32 s27, $0x1;
	_ =	strace $0x80000049;
	[dreg:$0x1] =	wrdreg $0xFFFFFFFF  }
0x1f: {  	s28 =	simm.s32 $_size_execute0_lowered;
	s3 =	sadd.s32 s3, s5;
	[dreg:$0x0] =	wrdreg $0x0  }
0x20: {  	s5 =	sshll.u32 s28, $0x1;
	[dreg:$0x2] =	wrdreg s3  }
0x21: {  	[dreg:$0x3] =	wrdreg s5  }
0x22: {  	[dreg:$0x4] =	wrdreg $0xC0  }
0x23: {  	_ =	task [dreg:s7], $0x5FFFF  }
0x24: {  	[dreg:$0x1] =	wrdreg $0xFFFFFFFF  }
0x25: {  	[dreg:$0x0] =	wrdreg $0x60  }
0x26: {  	[dreg:$0x2] =	wrdreg s25  }
0x27: {  	[dreg:$0x3] =	wrdreg s2  }
0x28: {  	[dreg:$0x4] =	wrdreg $0x9  }
0x29: {  	_ =	task.clear_ibuf [dreg:s7], $0x5FFFF;
	_ =	strace $0x90000049  }
0x2a: {  	s29 =	simm.s32 $0x9;
	_ =	strace $0x8000004B  }
0x2b: {  	_ =	swait.ge [sflag:s29], $0x1  }
0x2c: {  	[sflag:s29] =	ssyncadd.s32 $0xFFFFFFFF  }
0x2d: {  	_ =	strace $0x9000004B  }
0x2e: {  	_ =	sfence  }
0x2f: {  	s30 =	sld [smem:$0x0];
	_ =	sdelay $0x2  }
0x30: {  	s31 =	sshll.u32 s1, $0xD;
	s1 =	sshrl.u32 s1, $0x2  }
0x31: {  	s3 =	sand.u32 $0x4000, s31;
	s1 =	sadd.s32 s1, s30  }
0x32: {  	s0 =	sor.u32 s3, s0;
	s1 =	sshll.u32 s1, $0x11  }
0x33: {  	s0 =	sor.u32 s1, s0  }
0x34: {  	s0 =	sadd.s32 $0x8F2B, s0  }
0x35: {  	[sflag:s0] =	ssyncadd.remote.s32 $0x1  }
0x36: {  	_ =	sfence.sel $0xFFFF  }
0x37: {  	[dreg:$0x0] =	wrdreg $0xFFFFFFFF;
	(pc) =	sbr.abs _section_cstart, $3  }
0x38: {  	[dreg:$0x1] =	wrdreg $0xFFFFFFFF  }
0x39: {  	_ =	task.clear_ibuf [dreg:s7], $0x2FFFF;
	_ =	strace $0x9FFFFFFF  }
0x3a: {  	(tm) =	ssettm $0x7FFFFFFF  }
0x3b: {  	_ =	shalt  }
tec
execute0_lowered:
.L_overlay_start_1:
0x0: {  	(tag) =	ssettag $0x1  }
0x1: {  	s0 =	srdreg.scid  }
0x2: {  	s1 =	sshll.u32 s0, $0x4  }
0x3: {  	s4 =	rddreg [dreg:$0x0];
	s0 =	stileid.u32;
	s1 =	sand.u32 $0x10, s1  }
0x4: {  	s2 =	rddreg [dreg:$0x1];
	s7 =	simm.s32 $0x1;
	s1 =	sor.u32 s0, s1  }
0x5: {  	s8 =	simm.s32 $0x2;
	s11 =	simm.s32 $0x0;
	s3 =	sshll.u32 s1, $0x7  }
0x6: {  	s10 =	simm.s32 $0x0;
	s4 =	sadd.s32 $0x800, s4;
	s6 =	ssub.s32 $0xC8000, s3  }
.Ltmp0:
0x7: {  	s1 =	rddreg [dreg:$0x2];
	s5 =	sand.u32 $0xF80, s6;
	(pc) =	sbr.rel .LBB1_1-.Ltmp0, $4  }
0x8: {  	_ =	strace $0x8000004A;
	s9 =	smov.u32 s3;
	p0 =	sne.s32 s5, $0x0  }
0x9: {  	s6 =	sshrl.u32 s6, $0xC;
	s5 =	simm.s32 $0x1;
	s7 =	simm.s32 @!p0 $0x0  }
0xa: {  	[sflag:s5] =	ssyncpa.u1 $0x0;
	p0 =	por $0x0, $0x0;
	s6 =	sadd.s32 s7, s6  }
0xb: {  	[sflag:s8] =	ssyncpa.u1 $0x0;
	s8 =	simm.s32 $0x640000;
	s7 =	sadd.s32 $0x1, s6  }
.LBB1_4:
0xc: {  	s14 =	sshll.u32 s11, $0x3  }
0xd: {  	s30 =	sand.u32 $0x7F, s11;
	s15 =	sand.u32 $0xFFFFFC00, s14  }
0xe: {  	s11 =	sor.u32 s30, s15  }
0xf: {  	s15 =	smulhi.u32 $0x51EB851F, s11  }
0x10: {  	s14 =	smulhi.u32 $0x51EB851F, s14  }
0x11: {  	s15 =	sshrl.u32 s15, $0x12  }
0x12: {  	s14 =	sshrl.u32 s14, $0x12;
	s15 =	smul.u32 $0xC8000, s15  }
0x13: {  	s14 =	sand.u32 $0x3F, s14  }
0x14: {  	s14 =	smul.u32 $0x19000, s14;
	s11 =	ssub.s32 s11, s15  }
0x15: {  	[tilespmem:s13+$0x810 ss:$0x81] =	vst.msk $0xffff, v2;
	s15 =	sand.u32 $0x7, s11  }
0x16: {  	[tilespmem:s13+$0x1020 ss:$0x81] =	vst.msk $0xffff, v0;
	s14 =	sadd.s32 s2, s14;
	s11 =	sshrl.u32 s11, $0x3;
	s15 =	sshll.u32 s15, $0x12  }
0x17: {  	[tilespmem:s13+$0x0 ss:$0x81] =	vst.msk $0xffff, v1;
	s11 =	sadd.s32 s11, s14;
	s31 =	sor.u32 $0x400, s15  }
0x18: {  	[hbm4b:s11+s31] =	stream.strided.scatter [tilespmem:s12], [sflag:$0x2], $0x2000, s8, s31, $0x20;
	[tilespmem:$0x8080] =	vst v63  }
.LBB1_5:
0x19: {  	s13 =	sadd.s32 $0x1000, s9  }
0x1a: {  	p2 =	sgt.s32 s13, $0xC7FFF  }
0x1b: {  	s13 =	smov.u32 @p2 s3;
	p2 =	sne.s32 s10, s7  }
.Ltmp1:
0x1c: {  	p1 =	slt.u32 s10, $0x2;
	(pc) =	sbr.rel @!p2 .LBB1_6-.Ltmp1, $4  }
0x1d: {  	s12 =	simm.s32 @!p1 $0x2  }
0x1e: {  	s14 =	sadd.s32 $0x1, s10;
	_ =	swait.ge @!p1 [sflag:s12], $0x2000  }
0x1f: {  	s11 =	smov.u32 s9;
	p0 =	por !p0, !p0;
	[sflag:s12] =	ssyncset.done @!p1 $0x0  }
0x20: {  	s10 =	smov.u32 s14;
	s9 =	smov.u32 s13;
	[sflag:s12] =	ssyncadd.s32 @!p1 $0xFFFFE000  }
.LBB1_1:
0x21: {  	p1 =	sge.u32 s10, s6  }
0x22: {  	s12 =	sand.u32 @!p1 $0x1FFFFFF, s9  }
0x23: {  	s13 =	smulhi.u32 @!p1 $0x147AE15, s12;
	_ =	sdelay $0x1  }
0x24: {  	s13 =	sshrl.u32 @!p1 s13, $0xC  }
0x25: {  	s13 =	smul.u32 @!p1 $0xC8000, s13;
	_ =	sdelay $0x1  }
0x26: {  	s31 =	sadd.s32 $0xFFFFFFFF, s10;
	s14 =	sxor.u32 @!p1 $0xFFFFFFFF, s10;
	s12 =	ssub.s32 @!p1 s12, s13  }
0x27: {  	s15 =	simm.s32 @!p1 $0x80;
	s14 =	sshll.u32 @!p1 s14, $0xD;
	s12 =	sshll.u32 @!p1 s12, $0x4  }
0x28: {  	s13 =	sand.u32 @!p1 $0x2000, s14;
	s14 =	simm.s32 @!p1 $0x40;
	s12 =	sadd.s32 @!p1 s4, s12  }
0x29: {  	[tilespmem:s13], [sflag:$0x1] =	stream.strided.gather @!p1 [hbm4b:s12+s14], $0x2000, s15, s14, $0x38;
	[tilespmem:$0x8080] =	vst v63  }
0x2a: {  	p1 =	sge.u32 s31, s6  }
.Ltmp2:
0x2b: {  	_ = 	snop;
	(pc) =	sbr.rel @p1 .LBB1_5-.Ltmp2, $1  }
0x2c: {  	_ =	sdelay $0x3  }
0x2d: {  	s12 =	simm.s32 $0x1  }
0x2e: {  	_ =	swait.ge [sflag:s5], $0x2000;
	s12 =	simm.s32 @!p0 $0x0  }
0x2f: {  	[sflag:s5] =	ssyncset.done $0x0;
	s13 =	sshll.u32 s12, $0xD  }
0x30: {  	[sflag:s5] =	ssyncadd.s32 $0xFFFFE000;
	s16 =	sor.u32 $0x20, s13  }
0x31: {  	s12 =	smul.u32 $0x8100, s12;
	v3 =	vld [tilespmem:s16+$0x10]  }
0x32: {  	s30 =	sand.u32 $0x1, s10;
	v2 =	vld [tilespmem:s16+$0xFFFFFFF0]  }
0x33: {  	s13 =	smul.u32 $0x8100, s30;
	s12 =	sshrl.u32 s12, $0x2;
	v0 =	vld [tilespmem:s16+$0x0]  }
0x34: {  	v1 =	vld [tilespmem:s16+$0xFFFFFFE0];
	s14 =	sor.u32 $0x4000, s12  }
0x35: {  	s31 =	sshrl.u32 s13, $0x2;
	s13 =	sadd.s32 $0x0, s14  }
0x36: {  	s15 =	simm.s32 $0x4;
	s16 =	sadd.s32 $0x40, s16;
	s12 =	sor.u32 $0x4000, s31;
	[tilespmem:s13+$0x1830 ss:$0x81] =	vst.msk $0xffff, v3  }
.LBB1_3:
0x37: {  	v3 =	vld [tilespmem:s16+$0x10];
	p1 =	sne.s32 s15, $0x1FC;
	[tilespmem:s13+$0x810 ss:$0x81] =	vst.msk $0xffff, v2;
	s17 =	smov.u32 s15;
	s15 =	sadd.s32 $0x4, s15  }
.Ltmp3:
0x38: {  	v2 =	vld [tilespmem:s16+$0xFFFFFFF0];
	[tilespmem:s13+$0x1020 ss:$0x81] =	vst.msk $0xffff, v0;
	(pc) =	sbr.rel @p1 .LBB1_3-.Ltmp3, $4  }
0x39: {  	v0 =	vld [tilespmem:s16+$0x0];
	[tilespmem:s13+$0x0 ss:$0x81] =	vst.msk $0xffff, v1  }
0x3a: {  	s13 =	sshra.s32 s17, $0x2;
	v1 =	vld [tilespmem:s16+$0xFFFFFFE0]  }
0x3b: {  	s13 =	sadd.s32 s13, s14  }
0x3c: {  	s16 =	sadd.s32 $0x40, s16;
	[tilespmem:s13+$0x1830 ss:$0x81] =	vst.msk $0xffff, v3  }
.Ltmp4:
0x3d: {  	_ = 	snop;
	(pc) =	sbr.rel .LBB1_4-.Ltmp4, $1  }
0x3e: {  	_ =	sdelay $0x3  }
.LBB1_6:
0x3f: {  	_ =	sfence.sel $0x180000  }
0x40: {  	s2 =	simm.s32 $0x1;
	[bflag:$0x0] =	sbarrier.arrive $0xFFFF  }
0x41: {  	s31 =	simm.s32 $0x2;
	[sflag:s2] =	ssyncpa.u1 $0x1  }
0x42: {  	[sflag:s31] =	ssyncpa.u1 $0x1  }
0x43: {  	p0 =	sne.s32 s0, $0x0;
	_ =	strace $0x9000004A  }
0x44: {  	s0 =	sadd.s32 @!p0 $0x100000, s1;
	[bflag:$0x2] =	sbarrier.arrive $0xFFFF  }
0x45: {  	[sflag:s0] =	ssyncadd.tile.s32 @!p0 $0x1;
	_ =	shalt  }
.Lfunc_end1:
_tile_overlayer_lowered:
.L_overlay_start_2:
0x46: {  	(tag) =	ssettag $0x2  }
0x47: {  	s0 =	rddreg [dreg:$0x0];
	s2 =	stileid.u32  }
0x48: {  	s1 =	rddreg [dreg:$0x1];
	p0 =	sne.s32 s2, $0x0  }
0x49: {  	s3 =	rddreg [dreg:$0x2];
	[bflag:$0x3] =	sbarrier.arrive $0xFFFF;
	s2 =	simm.s32 @!p0 $0x1C01  }
0x4a: {  	[timem:s3], [sflag:s2] =	dma.local @!p0 [hbm:s0], s1  }
0x4b: {  	s0 =	simm.s32 @!p0 $0x1  }
0x4c: {  	_ =	swait.ge @!p0 [sflag:s0], s1  }
0x4d: {  	s1 =	ssub.s32 @!p0 $0x0, s1;
	[sflag:s0] =	ssyncset.done @!p0 $0x0  }
0x4e: {  	[sflag:s0] =	ssyncadd.s32 @!p0 s1  }
0x4f: {  	[bflag:$0x3] =	sbarrier.arrive $0xFFFF  }
0x50: {  	_ =	shalt  }

</sc_bundles>
